<compile_context>
chip_gen: v7x
topology: tpu7x:2x2x1
jax: 0.10.2.dev20260603
libtpu: 0.0.44.dev20260713+nightly
codegen_flags: <defaults>
</compile_context>

<pallas_src>
import functools

import jax
import jax.numpy as jnp
from jax import lax
from jax.experimental import pallas as pl
from jax.experimental.pallas import tpu as pltpu
from jax.experimental.pallas import tpu_sc as plsc

_LANE = 128
_SUB = 8


@functools.partial(jax.jit, static_argnums=(2, 3, 4))
def _gather(weight, idx4d, B, D, SQ):
    info = plsc.get_sparse_core_info()
    NC = info.num_cores
    NW = NC * info.num_subcores
    BA = B // SQ
    n_si = SQ // _SUB
    mesh = plsc.VectorSubcoreMesh(core_axis_name="c", subcore_axis_name="s")

    @functools.partial(
        pl.kernel,
        mesh=mesh,
        compiler_params=pltpu.CompilerParams(use_tc_tiling_on_sc=False),
        out_type=jax.ShapeDtypeStruct((SQ, B // SQ, D), jnp.float32),
        scratch_types=[
            pltpu.VMEM((n_si, _SUB, _LANE), jnp.int32),
            pltpu.VMEM((_SUB, _LANE, D), jnp.float32),
            pltpu.SemaphoreType.DMA((_SUB,)),
            pltpu.SemaphoreType.DMA((_SUB,)),
        ],
    )
    def k(table_hbm, idx_hbm, out_hbm, idx_v, rows_v, gsem, ssem):
        w = lax.axis_index("s") * NC + lax.axis_index("c")
        pltpu.sync_copy(idx_hbm.at[:, w], idx_v)

        def start_gather(si, p):
            pltpu.async_copy(
                table_hbm.at[idx_v.at[si, p]], rows_v.at[p], gsem.at[p]
            )

        for p in range(_SUB):
            start_gather(0, p)

        def grp(si, carry):
            for p in range(_SUB):
                pltpu.make_async_copy(
                    table_hbm.at[idx_v.at[si, p]], rows_v.at[p], gsem.at[p]
                ).wait()
                pltpu.async_copy(
                    rows_v.at[p],
                    out_hbm.at[si * _SUB + p, pl.ds(w * _LANE, _LANE)],
                    ssem.at[p],
                )
            for p in range(_SUB):
                pltpu.make_async_copy(
                    rows_v.at[p], out_hbm.at[0, pl.ds(0, _LANE)], ssem.at[p]
                ).wait()

                @pl.when(si + 1 < n_si)
                def _():
                    start_gather(si + 1, p)

            return carry

        lax.fori_loop(0, n_si, grp, 0)

    return k(weight, idx4d)


def kernel(input, weight):
    BA, SQ = input.shape
    B = BA * SQ
    D = weight.shape[1]
    idx4d = (
        input.T.reshape(SQ // _SUB, _SUB, BA // _LANE, _LANE)
        .transpose(0, 2, 1, 3)
    )
    out = _gather(weight, idx4d, B, D, SQ)
    return out.transpose(1, 0, 2)

# --- scband reference (transcript-rebuilt; emitter-appended) ---
"""Pipeline reference for scband-gaembedding-51805895524358 (READ-ONLY COPY).

The authoritative reference and input builder live on the scoring server;
editing this copy changes nothing except your own understanding.
"""

import jax, jax.numpy as jnp
import numpy as np

NUM_EMBEDDINGS = 1000000
EMBEDDING_DIM = 32
BATCH = 4096
SEQ = 200


def setup_inputs(seed: int = 0) -> dict:
    key = jax.random.key(seed)
    k1, k2 = jax.random.split(key)
    input_ids = jax.random.randint(k1, (BATCH, SEQ), 0, NUM_EMBEDDINGS, dtype=jnp.int64 if jax.config.jax_enable_x64 else jnp.int32).astype(jnp.int32)
    weight = jax.random.normal(k2, (NUM_EMBEDDINGS, EMBEDDING_DIM), dtype=jnp.float32)
    return {"input": input_ids, "weight": weight}


def reference(input, weight):
    # GAEmbedding.forward -> F.embedding(input, weight) with default args
    # (padding_idx=None, max_norm=None, scale_grad_by_freq=False, sparse=False)
    # is a plain row gather from the embedding table.
    return jnp.take(weight, input, axis=0)

if __name__ == "__main__":
    import jax
    _d = setup_inputs()
    print(jax.jit(kernel)(*tuple(_d.values())))

</pallas_src>

<mosaic_0001>
#map = affine_map<(d0, d1) -> (0, 0)>
#map1 = affine_map<(d0, d1) -> (0, 0, 0, 0)>
#map2 = affine_map<(d0, d1) -> (0, 0, 0)>
module attributes {stable_mosaic.version = 14 : i64} {
  func.func @k(%arg0: i32, %arg1: i32, %arg2: memref<1000000x32xf32, #tpu.memory_space<hbm>>, %arg3: memref<25x32x8x128xi32, #tpu.memory_space<hbm>>, %arg4: memref<200x4096x32xf32, #tpu.memory_space<hbm>>, %arg5: memref<25x8x128xi32, #tpu.memory_space<vmem>>, %arg6: memref<8x128x32xf32, #tpu.memory_space<vmem>>, %arg7: memref<8x!tpu.dma_semaphore, #tpu.memory_space<semaphore_mem>>, %arg8: memref<8x!tpu.dma_semaphore, #tpu.memory_space<semaphore_mem>>) attributes {dimension_semantics = [#tpu.dimension_semantics<core_parallel>, #tpu.dimension_semantics<subcore_parallel>], iteration_bounds = array<i64: 2, 16>, scalar_prefetch = 0 : i64, scratch_operands = 4 : i64, tpu.core_type = #tpu.core_type<sc_vector_subcore>, window_params = [{transform_indices = #map}, {transform_indices = #map1}, {transform_indices = #map2}]} {
    %mul3A = arith.constant 2 : i32
    %mul3A_0 = arith.muli %arg1, %mul3A : i32
    %add3A = arith.addi %mul3A_0, %arg0 : i32
    "tpu.region"() ({
      %run_scoped3A = tpu.sem_alloc : memref<!tpu.dma_semaphore, #tpu.memory_space<semaphore_mem>>
      %dma_start3A_133 = arith.constant 0 : i32
      %dma_start3A_134 = arith.constant 0 : i32
      %dma_start3A_135 = arith.constant 0 : i32
      %dma_start3A_136 = tpu.memref_slice %arg3[%dma_start3A_133, %add3A, %dma_start3A_134, %dma_start3A_135] : memref<25x32x8x128xi32, #tpu.memory_space<hbm>> -> memref<25x1x8x128xi32, #tpu.memory_space<hbm>>
      %dma_start3A_137 = tpu.memref_squeeze %dma_start3A_136 : memref<25x1x8x128xi32, #tpu.memory_space<hbm>> -> memref<25x8x128xi32, #tpu.memory_space<hbm>>
      %dma_start3A_138 = arith.constant 0 : i32
      %dma_start3A_139 = arith.constant 0 : i32
      %dma_start3A_140 = arith.constant 0 : i32
      %dma_start3A_141 = tpu.memref_slice %arg3[%dma_start3A_138, %add3A, %dma_start3A_139, %dma_start3A_140] : memref<25x32x8x128xi32, #tpu.memory_space<hbm>> -> memref<25x1x8x128xi32, #tpu.memory_space<hbm>>
      %dma_start3A_142 = tpu.memref_squeeze %dma_start3A_141 : memref<25x1x8x128xi32, #tpu.memory_space<hbm>> -> memref<25x8x128xi32, #tpu.memory_space<hbm>>
      tpu.enqueue_dma source(%dma_start3A_142 : memref<25x8x128xi32, #tpu.memory_space<hbm>>) target(%arg5 : memref<25x8x128xi32, #tpu.memory_space<vmem>>) target_semaphore(%run_scoped3A : memref<!tpu.dma_semaphore, #tpu.memory_space<semaphore_mem>>)
      %dma_wait3A = arith.constant 0 : i32
      %dma_wait3A_143 = arith.constant 0 : i32
      %dma_wait3A_144 = arith.constant 0 : i32
      %dma_wait3A_145 = tpu.memref_slice %arg3[%dma_wait3A, %add3A, %dma_wait3A_143, %dma_wait3A_144] : memref<25x32x8x128xi32, #tpu.memory_space<hbm>> -> memref<25x1x8x128xi32, #tpu.memory_space<hbm>>
      %dma_wait3A_146 = tpu.memref_squeeze %dma_wait3A_145 : memref<25x1x8x128xi32, #tpu.memory_space<hbm>> -> memref<25x8x128xi32, #tpu.memory_space<hbm>>
      %dma_wait3A_147 = arith.constant 0 : i32
      %dma_wait3A_148 = arith.constant 0 : i32
      %dma_wait3A_149 = arith.constant 0 : i32
      %dma_wait3A_150 = tpu.memref_slice %arg3[%dma_wait3A_147, %add3A, %dma_wait3A_148, %dma_wait3A_149] : memref<25x32x8x128xi32, #tpu.memory_space<hbm>> -> memref<25x1x8x128xi32, #tpu.memory_space<hbm>>
      %dma_wait3A_151 = tpu.memref_squeeze %dma_wait3A_150 : memref<25x1x8x128xi32, #tpu.memory_space<hbm>> -> memref<25x8x128xi32, #tpu.memory_space<hbm>>
      tpu.wait_dma2 semaphore(%run_scoped3A : memref<!tpu.dma_semaphore, #tpu.memory_space<semaphore_mem>>) src(%dma_wait3A_151 : memref<25x8x128xi32, #tpu.memory_space<hbm>>) dst(%arg5 : memref<25x8x128xi32, #tpu.memory_space<vmem>>)
      tpu.yield
    }) : () -> ()
    %dma_start3A = arith.constant 0 : i32
    %dma_start3A_1 = arith.constant 0 : i32
    %dma_start3A_2 = arith.constant 0 : i32
    %dma_start3A_3 = arith.constant 0 : i32
    %dma_start3A_4 = arith.constant 0 : i32
    %dma_start3A_5 = arith.constant 0 : i32
    %dma_start3A_6 = tpu.memref_slice %arg6[%dma_start3A_2, %dma_start3A_4, %dma_start3A_5] : memref<8x128x32xf32, #tpu.memory_space<vmem>> -> memref<1x128x32xf32, #tpu.memory_space<vmem>>
    %dma_start3A_7 = tpu.memref_squeeze %dma_start3A_6 : memref<1x128x32xf32, #tpu.memory_space<vmem>> -> memref<128x32xf32, #tpu.memory_space<vmem>>
    %dma_start3A_8 = arith.constant 0 : i32
    %dma_start3A_9 = tpu.memref_slice %arg5[%dma_start3A, %dma_start3A_1, %dma_start3A_8] : memref<25x8x128xi32, #tpu.memory_space<vmem>> -> memref<1x1x128xi32, #tpu.memory_space<vmem>>
    %dma_start3A_10 = tpu.memref_squeeze %dma_start3A_9 : memref<1x1x128xi32, #tpu.memory_space<vmem>> -> memref<128xi32, #tpu.memory_space<vmem>>
    %dma_start3A_11 = arith.constant 0 : i32
    %dma_start3A_12 = arith.constant 0 : i32
    %dma_start3A_13 = tpu.memref_slice %arg2[%dma_start3A_11, %dma_start3A_12] : memref<1000000x32xf32, #tpu.memory_space<hbm>> -> memref<1000000x32xf32, #tpu.memory_space<hbm>>
    %dma_start3A_14 = tpu.memref_slice %arg7[%dma_start3A_3] : memref<8x!tpu.dma_semaphore, #tpu.memory_space<semaphore_mem>> -> memref<1x!tpu.dma_semaphore, #tpu.memory_space<semaphore_mem>>
    %dma_start3A_15 = tpu.memref_squeeze %dma_start3A_14 : memref<1x!tpu.dma_semaphore, #tpu.memory_space<semaphore_mem>> -> memref<!tpu.dma_semaphore, #tpu.memory_space<semaphore_mem>>
    tpu.enqueue_indirect_dma source(%dma_start3A_13 : memref<1000000x32xf32, #tpu.memory_space<hbm>>) target(%dma_start3A_7 : memref<128x32xf32, #tpu.memory_space<vmem>>) offsets(%dma_start3A_10 : memref<128xi32, #tpu.memory_space<vmem>>) semaphore(%dma_start3A_15 : memref<!tpu.dma_semaphore, #tpu.memory_space<semaphore_mem>>)
    %dma_start3A_16 = arith.constant 0 : i32
    %dma_start3A_17 = arith.constant 1 : i32
    %dma_start3A_18 = arith.constant 1 : i32
    %dma_start3A_19 = arith.constant 1 : i32
    %dma_start3A_20 = arith.constant 0 : i32
    %dma_start3A_21 = arith.constant 0 : i32
    %dma_start3A_22 = tpu.memref_slice %arg6[%dma_start3A_18, %dma_start3A_20, %dma_start3A_21] : memref<8x128x32xf32, #tpu.memory_space<vmem>> -> memref<1x128x32xf32, #tpu.memory_space<vmem>>
    %dma_start3A_23 = tpu.memref_squeeze %dma_start3A_22 : memref<1x128x32xf32, #tpu.memory_space<vmem>> -> memref<128x32xf32, #tpu.memory_space<vmem>>
    %dma_start3A_24 = arith.constant 0 : i32
    %dma_start3A_25 = tpu.memref_slice %arg5[%dma_start3A_16, %dma_start3A_17, %dma_start3A_24] : memref<25x8x128xi32, #tpu.memory_space<vmem>> -> memref<1x1x128xi32, #tpu.memory_space<vmem>>
    %dma_start3A_26 = tpu.memref_squeeze %dma_start3A_25 : memref<1x1x128xi32, #tpu.memory_space<vmem>> -> memref<128xi32, #tpu.memory_space<vmem>>
    %dma_start3A_27 = arith.constant 0 : i32
    %dma_start3A_28 = arith.constant 0 : i32
    %dma_start3A_29 = tpu.memref_slice %arg2[%dma_start3A_27, %dma_start3A_28] : memref<1000000x32xf32, #tpu.memory_space<hbm>> -> memref<1000000x32xf32, #tpu.memory_space<hbm>>
    %dma_start3A_30 = tpu.memref_slice %arg7[%dma_start3A_19] : memref<8x!tpu.dma_semaphore, #tpu.memory_space<semaphore_mem>> -> memref<1x!tpu.dma_semaphore, #tpu.memory_space<semaphore_mem>>
    %dma_start3A_31 = tpu.memref_squeeze %dma_start3A_30 : memref<1x!tpu.dma_semaphore, #tpu.memory_space<semaphore_mem>> -> memref<!tpu.dma_semaphore, #tpu.memory_space<semaphore_mem>>
    tpu.enqueue_indirect_dma source(%dma_start3A_29 : memref<1000000x32xf32, #tpu.memory_space<hbm>>) target(%dma_start3A_23 : memref<128x32xf32, #tpu.memory_space<vmem>>) offsets(%dma_start3A_26 : memref<128xi32, #tpu.memory_space<vmem>>) semaphore(%dma_start3A_31 : memref<!tpu.dma_semaphore, #tpu.memory_space<semaphore_mem>>)
    %dma_start3A_32 = arith.constant 0 : i32
    %dma_start3A_33 = arith.constant 2 : i32
    %dma_start3A_34 = arith.constant 2 : i32
    %dma_start3A_35 = arith.constant 2 : i32
    %dma_start3A_36 = arith.constant 0 : i32
    %dma_start3A_37 = arith.constant 0 : i32
    %dma_start3A_38 = tpu.memref_slice %arg6[%dma_start3A_34, %dma_start3A_36, %dma_start3A_37] : memref<8x128x32xf32, #tpu.memory_space<vmem>> -> memref<1x128x32xf32, #tpu.memory_space<vmem>>
    %dma_start3A_39 = tpu.memref_squeeze %dma_start3A_38 : memref<1x128x32xf32, #tpu.memory_space<vmem>> -> memref<128x32xf32, #tpu.memory_space<vmem>>
    %dma_start3A_40 = arith.constant 0 : i32
    %dma_start3A_41 = tpu.memref_slice %arg5[%dma_start3A_32, %dma_start3A_33, %dma_start3A_40] : memref<25x8x128xi32, #tpu.memory_space<vmem>> -> memref<1x1x128xi32, #tpu.memory_space<vmem>>
    %dma_start3A_42 = tpu.memref_squeeze %dma_start3A_41 : memref<1x1x128xi32, #tpu.memory_space<vmem>> -> memref<128xi32, #tpu.memory_space<vmem>>
    %dma_start3A_43 = arith.constant 0 : i32
    %dma_start3A_44 = arith.constant 0 : i32
    %dma_start3A_45 = tpu.memref_slice %arg2[%dma_start3A_43, %dma_start3A_44] : memref<1000000x32xf32, #tpu.memory_space<hbm>> -> memref<1000000x32xf32, #tpu.memory_space<hbm>>
    %dma_start3A_46 = tpu.memref_slice %arg7[%dma_start3A_35] : memref<8x!tpu.dma_semaphore, #tpu.memory_space<semaphore_mem>> -> memref<1x!tpu.dma_semaphore, #tpu.memory_space<semaphore_mem>>
    %dma_start3A_47 = tpu.memref_squeeze %dma_start3A_46 : memref<1x!tpu.dma_semaphore, #tpu.memory_space<semaphore_mem>> -> memref<!tpu.dma_semaphore, #tpu.memory_space<semaphore_mem>>
    tpu.enqueue_indirect_dma source(%dma_start3A_45 : memref<1000000x32xf32, #tpu.memory_space<hbm>>) target(%dma_start3A_39 : memref<128x32xf32, #tpu.memory_space<vmem>>) offsets(%dma_start3A_42 : memref<128xi32, #tpu.memory_space<vmem>>) semaphore(%dma_start3A_47 : memref<!tpu.dma_semaphore, #tpu.memory_space<semaphore_mem>>)
    %dma_start3A_48 = arith.constant 0 : i32
    %dma_start3A_49 = arith.constant 3 : i32
    %dma_start3A_50 = arith.constant 3 : i32
    %dma_start3A_51 = arith.constant 3 : i32
    %dma_start3A_52 = arith.constant 0 : i32
    %dma_start3A_53 = arith.constant 0 : i32
    %dma_start3A_54 = tpu.memref_slice %arg6[%dma_start3A_50, %dma_start3A_52, %dma_start3A_53] : memref<8x128x32xf32, #tpu.memory_space<vmem>> -> memref<1x128x32xf32, #tpu.memory_space<vmem>>
    %dma_start3A_55 = tpu.memref_squeeze %dma_start3A_54 : memref<1x128x32xf32, #tpu.memory_space<vmem>> -> memref<128x32xf32, #tpu.memory_space<vmem>>
    %dma_start3A_56 = arith.constant 0 : i32
    %dma_start3A_57 = tpu.memref_slice %arg5[%dma_start3A_48, %dma_start3A_49, %dma_start3A_56] : memref<25x8x128xi32, #tpu.memory_space<vmem>> -> memref<1x1x128xi32, #tpu.memory_space<vmem>>
    %dma_start3A_58 = tpu.memref_squeeze %dma_start3A_57 : memref<1x1x128xi32, #tpu.memory_space<vmem>> -> memref<128xi32, #tpu.memory_space<vmem>>
    %dma_start3A_59 = arith.constant 0 : i32
    %dma_start3A_60 = arith.constant 0 : i32
    %dma_start3A_61 = tpu.memref_slice %arg2[%dma_start3A_59, %dma_start3A_60] : memref<1000000x32xf32, #tpu.memory_space<hbm>> -> memref<1000000x32xf32, #tpu.memory_space<hbm>>
    %dma_start3A_62 = tpu.memref_slice %arg7[%dma_start3A_51] : memref<8x!tpu.dma_semaphore, #tpu.memory_space<semaphore_mem>> -> memref<1x!tpu.dma_semaphore, #tpu.memory_space<semaphore_mem>>
    %dma_start3A_63 = tpu.memref_squeeze %dma_start3A_62 : memref<1x!tpu.dma_semaphore, #tpu.memory_space<semaphore_mem>> -> memref<!tpu.dma_semaphore, #tpu.memory_space<semaphore_mem>>
    tpu.enqueue_indirect_dma source(%dma_start3A_61 : memref<1000000x32xf32, #tpu.memory_space<hbm>>) target(%dma_start3A_55 : memref<128x32xf32, #tpu.memory_space<vmem>>) offsets(%dma_start3A_58 : memref<128xi32, #tpu.memory_space<vmem>>) semaphore(%dma_start3A_63 : memref<!tpu.dma_semaphore, #tpu.memory_space<semaphore_mem>>)
    %dma_start3A_64 = arith.constant 0 : i32
    %dma_start3A_65 = arith.constant 4 : i32
    %dma_start3A_66 = arith.constant 4 : i32
    %dma_start3A_67 = arith.constant 4 : i32
    %dma_start3A_68 = arith.constant 0 : i32
    %dma_start3A_69 = arith.constant 0 : i32
    %dma_start3A_70 = tpu.memref_slice %arg6[%dma_start3A_66, %dma_start3A_68, %dma_start3A_69] : memref<8x128x32xf32, #tpu.memory_space<vmem>> -> memref<1x128x32xf32, #tpu.memory_space<vmem>>
    %dma_start3A_71 = tpu.memref_squeeze %dma_start3A_70 : memref<1x128x32xf32, #tpu.memory_space<vmem>> -> memref<128x32xf32, #tpu.memory_space<vmem>>
    %dma_start3A_72 = arith.constant 0 : i32
    %dma_start3A_73 = tpu.memref_slice %arg5[%dma_start3A_64, %dma_start3A_65, %dma_start3A_72] : memref<25x8x128xi32, #tpu.memory_space<vmem>> -> memref<1x1x128xi32, #tpu.memory_space<vmem>>
    %dma_start3A_74 = tpu.memref_squeeze %dma_start3A_73 : memref<1x1x128xi32, #tpu.memory_space<vmem>> -> memref<128xi32, #tpu.memory_space<vmem>>
    %dma_start3A_75 = arith.constant 0 : i32
    %dma_start3A_76 = arith.constant 0 : i32
    %dma_start3A_77 = tpu.memref_slice %arg2[%dma_start3A_75, %dma_start3A_76] : memref<1000000x32xf32, #tpu.memory_space<hbm>> -> memref<1000000x32xf32, #tpu.memory_space<hbm>>
    %dma_start3A_78 = tpu.memref_slice %arg7[%dma_start3A_67] : memref<8x!tpu.dma_semaphore, #tpu.memory_space<semaphore_mem>> -> memref<1x!tpu.dma_semaphore, #tpu.memory_space<semaphore_mem>>
    %dma_start3A_79 = tpu.memref_squeeze %dma_start3A_78 : memref<1x!tpu.dma_semaphore, #tpu.memory_space<semaphore_mem>> -> memref<!tpu.dma_semaphore, #tpu.memory_space<semaphore_mem>>
    tpu.enqueue_indirect_dma source(%dma_start3A_77 : memref<1000000x32xf32, #tpu.memory_space<hbm>>) target(%dma_start3A_71 : memref<128x32xf32, #tpu.memory_space<vmem>>) offsets(%dma_start3A_74 : memref<128xi32, #tpu.memory_space<vmem>>) semaphore(%dma_start3A_79 : memref<!tpu.dma_semaphore, #tpu.memory_space<semaphore_mem>>)
    %dma_start3A_80 = arith.constant 0 : i32
    %dma_start3A_81 = arith.constant 5 : i32
    %dma_start3A_82 = arith.constant 5 : i32
    %dma_start3A_83 = arith.constant 5 : i32
    %dma_start3A_84 = arith.constant 0 : i32
    %dma_start3A_85 = arith.constant 0 : i32
    %dma_start3A_86 = tpu.memref_slice %arg6[%dma_start3A_82, %dma_start3A_84, %dma_start3A_85] : memref<8x128x32xf32, #tpu.memory_space<vmem>> -> memref<1x128x32xf32, #tpu.memory_space<vmem>>
    %dma_start3A_87 = tpu.memref_squeeze %dma_start3A_86 : memref<1x128x32xf32, #tpu.memory_space<vmem>> -> memref<128x32xf32, #tpu.memory_space<vmem>>
    %dma_start3A_88 = arith.constant 0 : i32
    %dma_start3A_89 = tpu.memref_slice %arg5[%dma_start3A_80, %dma_start3A_81, %dma_start3A_88] : memref<25x8x128xi32, #tpu.memory_space<vmem>> -> memref<1x1x128xi32, #tpu.memory_space<vmem>>
    %dma_start3A_90 = tpu.memref_squeeze %dma_start3A_89 : memref<1x1x128xi32, #tpu.memory_space<vmem>> -> memref<128xi32, #tpu.memory_space<vmem>>
    %dma_start3A_91 = arith.constant 0 : i32
    %dma_start3A_92 = arith.constant 0 : i32
    %dma_start3A_93 = tpu.memref_slice %arg2[%dma_start3A_91, %dma_start3A_92] : memref<1000000x32xf32, #tpu.memory_space<hbm>> -> memref<1000000x32xf32, #tpu.memory_space<hbm>>
    %dma_start3A_94 = tpu.memref_slice %arg7[%dma_start3A_83] : memref<8x!tpu.dma_semaphore, #tpu.memory_space<semaphore_mem>> -> memref<1x!tpu.dma_semaphore, #tpu.memory_space<semaphore_mem>>
    %dma_start3A_95 = tpu.memref_squeeze %dma_start3A_94 : memref<1x!tpu.dma_semaphore, #tpu.memory_space<semaphore_mem>> -> memref<!tpu.dma_semaphore, #tpu.memory_space<semaphore_mem>>
    tpu.enqueue_indirect_dma source(%dma_start3A_93 : memref<1000000x32xf32, #tpu.memory_space<hbm>>) target(%dma_start3A_87 : memref<128x32xf32, #tpu.memory_space<vmem>>) offsets(%dma_start3A_90 : memref<128xi32, #tpu.memory_space<vmem>>) semaphore(%dma_start3A_95 : memref<!tpu.dma_semaphore, #tpu.memory_space<semaphore_mem>>)
    %dma_start3A_96 = arith.constant 0 : i32
    %dma_start3A_97 = arith.constant 6 : i32
    %dma_start3A_98 = arith.constant 6 : i32
    %dma_start3A_99 = arith.constant 6 : i32
    %dma_start3A_100 = arith.constant 0 : i32
    %dma_start3A_101 = arith.constant 0 : i32
    %dma_start3A_102 = tpu.memref_slice %arg6[%dma_start3A_98, %dma_start3A_100, %dma_start3A_101] : memref<8x128x32xf32, #tpu.memory_space<vmem>> -> memref<1x128x32xf32, #tpu.memory_space<vmem>>
    %dma_start3A_103 = tpu.memref_squeeze %dma_start3A_102 : memref<1x128x32xf32, #tpu.memory_space<vmem>> -> memref<128x32xf32, #tpu.memory_space<vmem>>
    %dma_start3A_104 = arith.constant 0 : i32
    %dma_start3A_105 = tpu.memref_slice %arg5[%dma_start3A_96, %dma_start3A_97, %dma_start3A_104] : memref<25x8x128xi32, #tpu.memory_space<vmem>> -> memref<1x1x128xi32, #tpu.memory_space<vmem>>
    %dma_start3A_106 = tpu.memref_squeeze %dma_start3A_105 : memref<1x1x128xi32, #tpu.memory_space<vmem>> -> memref<128xi32, #tpu.memory_space<vmem>>
    %dma_start3A_107 = arith.constant 0 : i32
    %dma_start3A_108 = arith.constant 0 : i32
    %dma_start3A_109 = tpu.memref_slice %arg2[%dma_start3A_107, %dma_start3A_108] : memref<1000000x32xf32, #tpu.memory_space<hbm>> -> memref<1000000x32xf32, #tpu.memory_space<hbm>>
    %dma_start3A_110 = tpu.memref_slice %arg7[%dma_start3A_99] : memref<8x!tpu.dma_semaphore, #tpu.memory_space<semaphore_mem>> -> memref<1x!tpu.dma_semaphore, #tpu.memory_space<semaphore_mem>>
    %dma_start3A_111 = tpu.memref_squeeze %dma_start3A_110 : memref<1x!tpu.dma_semaphore, #tpu.memory_space<semaphore_mem>> -> memref<!tpu.dma_semaphore, #tpu.memory_space<semaphore_mem>>
    tpu.enqueue_indirect_dma source(%dma_start3A_109 : memref<1000000x32xf32, #tpu.memory_space<hbm>>) target(%dma_start3A_103 : memref<128x32xf32, #tpu.memory_space<vmem>>) offsets(%dma_start3A_106 : memref<128xi32, #tpu.memory_space<vmem>>) semaphore(%dma_start3A_111 : memref<!tpu.dma_semaphore, #tpu.memory_space<semaphore_mem>>)
    %dma_start3A_112 = arith.constant 0 : i32
    %dma_start3A_113 = arith.constant 7 : i32
    %dma_start3A_114 = arith.constant 7 : i32
    %dma_start3A_115 = arith.constant 7 : i32
    %dma_start3A_116 = arith.constant 0 : i32
    %dma_start3A_117 = arith.constant 0 : i32
    %dma_start3A_118 = tpu.memref_slice %arg6[%dma_start3A_114, %dma_start3A_116, %dma_start3A_117] : memref<8x128x32xf32, #tpu.memory_space<vmem>> -> memref<1x128x32xf32, #tpu.memory_space<vmem>>
    %dma_start3A_119 = tpu.memref_squeeze %dma_start3A_118 : memref<1x128x32xf32, #tpu.memory_space<vmem>> -> memref<128x32xf32, #tpu.memory_space<vmem>>
    %dma_start3A_120 = arith.constant 0 : i32
    %dma_start3A_121 = tpu.memref_slice %arg5[%dma_start3A_112, %dma_start3A_113, %dma_start3A_120] : memref<25x8x128xi32, #tpu.memory_space<vmem>> -> memref<1x1x128xi32, #tpu.memory_space<vmem>>
    %dma_start3A_122 = tpu.memref_squeeze %dma_start3A_121 : memref<1x1x128xi32, #tpu.memory_space<vmem>> -> memref<128xi32, #tpu.memory_space<vmem>>
    %dma_start3A_123 = arith.constant 0 : i32
    %dma_start3A_124 = arith.constant 0 : i32
    %dma_start3A_125 = tpu.memref_slice %arg2[%dma_start3A_123, %dma_start3A_124] : memref<1000000x32xf32, #tpu.memory_space<hbm>> -> memref<1000000x32xf32, #tpu.memory_space<hbm>>
    %dma_start3A_126 = tpu.memref_slice %arg7[%dma_start3A_115] : memref<8x!tpu.dma_semaphore, #tpu.memory_space<semaphore_mem>> -> memref<1x!tpu.dma_semaphore, #tpu.memory_space<semaphore_mem>>
    %dma_start3A_127 = tpu.memref_squeeze %dma_start3A_126 : memref<1x!tpu.dma_semaphore, #tpu.memory_space<semaphore_mem>> -> memref<!tpu.dma_semaphore, #tpu.memory_space<semaphore_mem>>
    tpu.enqueue_indirect_dma source(%dma_start3A_125 : memref<1000000x32xf32, #tpu.memory_space<hbm>>) target(%dma_start3A_119 : memref<128x32xf32, #tpu.memory_space<vmem>>) offsets(%dma_start3A_122 : memref<128xi32, #tpu.memory_space<vmem>>) semaphore(%dma_start3A_127 : memref<!tpu.dma_semaphore, #tpu.memory_space<semaphore_mem>>)
    %scan3A = arith.constant 0 : i32
    %scan3A_128 = arith.constant 0 : i32
    %scan3A_129 = arith.constant 25 : i32
    %scan3A_130 = arith.addi %scan3A_128, %scan3A_129 : i32
    %scan3A_131 = arith.constant 1 : i32
    scf.for %scan3A_133 = %scan3A_128 to %scan3A_130 step %scan3A_131  : i32 {
      %dma_wait3A = arith.constant 0 : i32
      %dma_wait3A_134 = arith.constant 0 : i32
      %dma_wait3A_135 = arith.constant 0 : i32
      %dma_wait3A_136 = arith.constant 0 : i32
      %dma_wait3A_137 = arith.constant 0 : i32
      %dma_wait3A_138 = tpu.memref_slice %arg6[%dma_wait3A_134, %dma_wait3A_136, %dma_wait3A_137] : memref<8x128x32xf32, #tpu.memory_space<vmem>> -> memref<1x128x32xf32, #tpu.memory_space<vmem>>
      %dma_wait3A_139 = tpu.memref_squeeze %dma_wait3A_138 : memref<1x128x32xf32, #tpu.memory_space<vmem>> -> memref<128x32xf32, #tpu.memory_space<vmem>>
      %dma_wait3A_140 = arith.constant 0 : i32
      %dma_wait3A_141 = tpu.memref_slice %arg5[%scan3A_133, %dma_wait3A, %dma_wait3A_140] : memref<25x8x128xi32, #tpu.memory_space<vmem>> -> memref<1x1x128xi32, #tpu.memory_space<vmem>>
      %dma_wait3A_142 = tpu.memref_squeeze %dma_wait3A_141 : memref<1x1x128xi32, #tpu.memory_space<vmem>> -> memref<128xi32, #tpu.memory_space<vmem>>
      %dma_wait3A_143 = arith.constant 0 : i32
      %dma_wait3A_144 = arith.constant 0 : i32
      %dma_wait3A_145 = tpu.memref_slice %arg2[%dma_wait3A_143, %dma_wait3A_144] : memref<1000000x32xf32, #tpu.memory_space<hbm>> -> memref<1000000x32xf32, #tpu.memory_space<hbm>>
      %dma_wait3A_146 = tpu.memref_slice %arg7[%dma_wait3A_135] : memref<8x!tpu.dma_semaphore, #tpu.memory_space<semaphore_mem>> -> memref<1x!tpu.dma_semaphore, #tpu.memory_space<semaphore_mem>>
      %dma_wait3A_147 = tpu.memref_squeeze %dma_wait3A_146 : memref<1x!tpu.dma_semaphore, #tpu.memory_space<semaphore_mem>> -> memref<!tpu.dma_semaphore, #tpu.memory_space<semaphore_mem>>
      tpu.wait_indirect_dma semaphore(%dma_wait3A_147 : memref<!tpu.dma_semaphore, #tpu.memory_space<semaphore_mem>>) src(%dma_wait3A_145 : memref<1000000x32xf32, #tpu.memory_space<hbm>>) dst(%dma_wait3A_139 : memref<128x32xf32, #tpu.memory_space<vmem>>)
      %mul3A_148 = arith.constant 8 : i32
      %mul3A_149 = arith.muli %scan3A_133, %mul3A_148 : i32
      %add3A_150 = arith.constant 0 : i32
      %add3A_151 = arith.addi %mul3A_149, %add3A_150 : i32
      %mul3A_152 = arith.constant 128 : i32
      %mul3A_153 = arith.muli %add3A, %mul3A_152 : i32
      %dma_start3A_154 = arith.constant 0 : i32
      %dma_start3A_155 = arith.constant 0 : i32
      %dma_start3A_156 = arith.constant 0 : i32
      %dma_start3A_157 = arith.constant 0 : i32
      %dma_start3A_158 = tpu.memref_slice %arg6[%dma_start3A_154, %dma_start3A_156, %dma_start3A_157] : memref<8x128x32xf32, #tpu.memory_space<vmem>> -> memref<1x128x32xf32, #tpu.memory_space<vmem>>
      %dma_start3A_159 = tpu.memref_squeeze %dma_start3A_158 : memref<1x128x32xf32, #tpu.memory_space<vmem>> -> memref<128x32xf32, #tpu.memory_space<vmem>>
      %dma_start3A_160 = arith.constant 0 : i32
      %dma_start3A_161 = tpu.memref_slice %arg4[%add3A_151, %mul3A_153, %dma_start3A_160] : memref<200x4096x32xf32, #tpu.memory_space<hbm>> -> memref<1x128x32xf32, #tpu.memory_space<hbm>>
      %dma_start3A_162 = tpu.memref_squeeze %dma_start3A_161 : memref<1x128x32xf32, #tpu.memory_space<hbm>> -> memref<128x32xf32, #tpu.memory_space<hbm>>
      %dma_start3A_163 = tpu.memref_slice %arg8[%dma_start3A_155] : memref<8x!tpu.dma_semaphore, #tpu.memory_space<semaphore_mem>> -> memref<1x!tpu.dma_semaphore, #tpu.memory_space<semaphore_mem>>
      %dma_start3A_164 = tpu.memref_squeeze %dma_start3A_163 : memref<1x!tpu.dma_semaphore, #tpu.memory_space<semaphore_mem>> -> memref<!tpu.dma_semaphore, #tpu.memory_space<semaphore_mem>>
      %dma_start3A_165 = arith.constant 0 : i32
      %dma_start3A_166 = tpu.memref_slice %arg4[%add3A_151, %mul3A_153, %dma_start3A_165] : memref<200x4096x32xf32, #tpu.memory_space<hbm>> -> memref<1x128x32xf32, #tpu.memory_space<hbm>>
      %dma_start3A_167 = tpu.memref_squeeze %dma_start3A_166 : memref<1x128x32xf32, #tpu.memory_space<hbm>> -> memref<128x32xf32, #tpu.memory_space<hbm>>
      %dma_start3A_168 = arith.constant 0 : i32
      %dma_start3A_169 = arith.constant 0 : i32
      %dma_start3A_170 = tpu.memref_slice %arg6[%dma_start3A_154, %dma_start3A_168, %dma_start3A_169] : memref<8x128x32xf32, #tpu.memory_space<vmem>> -> memref<1x128x32xf32, #tpu.memory_space<vmem>>
      %dma_start3A_171 = tpu.memref_squeeze %dma_start3A_170 : memref<1x128x32xf32, #tpu.memory_space<vmem>> -> memref<128x32xf32, #tpu.memory_space<vmem>>
      tpu.enqueue_dma source(%dma_start3A_171 : memref<128x32xf32, #tpu.memory_space<vmem>>) target(%dma_start3A_167 : memref<128x32xf32, #tpu.memory_space<hbm>>) target_semaphore(%dma_start3A_164 : memref<!tpu.dma_semaphore, #tpu.memory_space<semaphore_mem>>)
      %dma_wait3A_172 = arith.constant 1 : i32
      %dma_wait3A_173 = arith.constant 1 : i32
      %dma_wait3A_174 = arith.constant 1 : i32
      %dma_wait3A_175 = arith.constant 0 : i32
      %dma_wait3A_176 = arith.constant 0 : i32
      %dma_wait3A_177 = tpu.memref_slice %arg6[%dma_wait3A_173, %dma_wait3A_175, %dma_wait3A_176] : memref<8x128x32xf32, #tpu.memory_space<vmem>> -> memref<1x128x32xf32, #tpu.memory_space<vmem>>
      %dma_wait3A_178 = tpu.memref_squeeze %dma_wait3A_177 : memref<1x128x32xf32, #tpu.memory_space<vmem>> -> memref<128x32xf32, #tpu.memory_space<vmem>>
      %dma_wait3A_179 = arith.constant 0 : i32
      %dma_wait3A_180 = tpu.memref_slice %arg5[%scan3A_133, %dma_wait3A_172, %dma_wait3A_179] : memref<25x8x128xi32, #tpu.memory_space<vmem>> -> memref<1x1x128xi32, #tpu.memory_space<vmem>>
      %dma_wait3A_181 = tpu.memref_squeeze %dma_wait3A_180 : memref<1x1x128xi32, #tpu.memory_space<vmem>> -> memref<128xi32, #tpu.memory_space<vmem>>
      %dma_wait3A_182 = arith.constant 0 : i32
      %dma_wait3A_183 = arith.constant 0 : i32
      %dma_wait3A_184 = tpu.memref_slice %arg2[%dma_wait3A_182, %dma_wait3A_183] : memref<1000000x32xf32, #tpu.memory_space<hbm>> -> memref<1000000x32xf32, #tpu.memory_space<hbm>>
      %dma_wait3A_185 = tpu.memref_slice %arg7[%dma_wait3A_174] : memref<8x!tpu.dma_semaphore, #tpu.memory_space<semaphore_mem>> -> memref<1x!tpu.dma_semaphore, #tpu.memory_space<semaphore_mem>>
      %dma_wait3A_186 = tpu.memref_squeeze %dma_wait3A_185 : memref<1x!tpu.dma_semaphore, #tpu.memory_space<semaphore_mem>> -> memref<!tpu.dma_semaphore, #tpu.memory_space<semaphore_mem>>
      tpu.wait_indirect_dma semaphore(%dma_wait3A_186 : memref<!tpu.dma_semaphore, #tpu.memory_space<semaphore_mem>>) src(%dma_wait3A_184 : memref<1000000x32xf32, #tpu.memory_space<hbm>>) dst(%dma_wait3A_178 : memref<128x32xf32, #tpu.memory_space<vmem>>)
      %mul3A_187 = arith.constant 8 : i32
      %mul3A_188 = arith.muli %scan3A_133, %mul3A_187 : i32
      %add3A_189 = arith.constant 1 : i32
      %add3A_190 = arith.addi %mul3A_188, %add3A_189 : i32
      %mul3A_191 = arith.constant 128 : i32
      %mul3A_192 = arith.muli %add3A, %mul3A_191 : i32
      %dma_start3A_193 = arith.constant 1 : i32
      %dma_start3A_194 = arith.constant 1 : i32
      %dma_start3A_195 = arith.constant 0 : i32
      %dma_start3A_196 = arith.constant 0 : i32
      %dma_start3A_197 = tpu.memref_slice %arg6[%dma_start3A_193, %dma_start3A_195, %dma_start3A_196] : memref<8x128x32xf32, #tpu.memory_space<vmem>> -> memref<1x128x32xf32, #tpu.memory_space<vmem>>
      %dma_start3A_198 = tpu.memref_squeeze %dma_start3A_197 : memref<1x128x32xf32, #tpu.memory_space<vmem>> -> memref<128x32xf32, #tpu.memory_space<vmem>>
      %dma_start3A_199 = arith.constant 0 : i32
      %dma_start3A_200 = tpu.memref_slice %arg4[%add3A_190, %mul3A_192, %dma_start3A_199] : memref<200x4096x32xf32, #tpu.memory_space<hbm>> -> memref<1x128x32xf32, #tpu.memory_space<hbm>>
      %dma_start3A_201 = tpu.memref_squeeze %dma_start3A_200 : memref<1x128x32xf32, #tpu.memory_space<hbm>> -> memref<128x32xf32, #tpu.memory_space<hbm>>
      %dma_start3A_202 = tpu.memref_slice %arg8[%dma_start3A_194] : memref<8x!tpu.dma_semaphore, #tpu.memory_space<semaphore_mem>> -> memref<1x!tpu.dma_semaphore, #tpu.memory_space<semaphore_mem>>
      %dma_start3A_203 = tpu.memref_squeeze %dma_start3A_202 : memref<1x!tpu.dma_semaphore, #tpu.memory_space<semaphore_mem>> -> memref<!tpu.dma_semaphore, #tpu.memory_space<semaphore_mem>>
      %dma_start3A_204 = arith.constant 0 : i32
      %dma_start3A_205 = tpu.memref_slice %arg4[%add3A_190, %mul3A_192, %dma_start3A_204] : memref<200x4096x32xf32, #tpu.memory_space<hbm>> -> memref<1x128x32xf32, #tpu.memory_space<hbm>>
      %dma_start3A_206 = tpu.memref_squeeze %dma_start3A_205 : memref<1x128x32xf32, #tpu.memory_space<hbm>> -> memref<128x32xf32, #tpu.memory_space<hbm>>
      %dma_start3A_207 = arith.constant 0 : i32
      %dma_start3A_208 = arith.constant 0 : i32
      %dma_start3A_209 = tpu.memref_slice %arg6[%dma_start3A_193, %dma_start3A_207, %dma_start3A_208] : memref<8x128x32xf32, #tpu.memory_space<vmem>> -> memref<1x128x32xf32, #tpu.memory_space<vmem>>
      %dma_start3A_210 = tpu.memref_squeeze %dma_start3A_209 : memref<1x128x32xf32, #tpu.memory_space<vmem>> -> memref<128x32xf32, #tpu.memory_space<vmem>>
      tpu.enqueue_dma source(%dma_start3A_210 : memref<128x32xf32, #tpu.memory_space<vmem>>) target(%dma_start3A_206 : memref<128x32xf32, #tpu.memory_space<hbm>>) target_semaphore(%dma_start3A_203 : memref<!tpu.dma_semaphore, #tpu.memory_space<semaphore_mem>>)
      %dma_wait3A_211 = arith.constant 2 : i32
      %dma_wait3A_212 = arith.constant 2 : i32
      %dma_wait3A_213 = arith.constant 2 : i32
      %dma_wait3A_214 = arith.constant 0 : i32
      %dma_wait3A_215 = arith.constant 0 : i32
      %dma_wait3A_216 = tpu.memref_slice %arg6[%dma_wait3A_212, %dma_wait3A_214, %dma_wait3A_215] : memref<8x128x32xf32, #tpu.memory_space<vmem>> -> memref<1x128x32xf32, #tpu.memory_space<vmem>>
      %dma_wait3A_217 = tpu.memref_squeeze %dma_wait3A_216 : memref<1x128x32xf32, #tpu.memory_space<vmem>> -> memref<128x32xf32, #tpu.memory_space<vmem>>
      %dma_wait3A_218 = arith.constant 0 : i32
      %dma_wait3A_219 = tpu.memref_slice %arg5[%scan3A_133, %dma_wait3A_211, %dma_wait3A_218] : memref<25x8x128xi32, #tpu.memory_space<vmem>> -> memref<1x1x128xi32, #tpu.memory_space<vmem>>
      %dma_wait3A_220 = tpu.memref_squeeze %dma_wait3A_219 : memref<1x1x128xi32, #tpu.memory_space<vmem>> -> memref<128xi32, #tpu.memory_space<vmem>>
      %dma_wait3A_221 = arith.constant 0 : i32
      %dma_wait3A_222 = arith.constant 0 : i32
      %dma_wait3A_223 = tpu.memref_slice %arg2[%dma_wait3A_221, %dma_wait3A_222] : memref<1000000x32xf32, #tpu.memory_space<hbm>> -> memref<1000000x32xf32, #tpu.memory_space<hbm>>
      %dma_wait3A_224 = tpu.memref_slice %arg7[%dma_wait3A_213] : memref<8x!tpu.dma_semaphore, #tpu.memory_space<semaphore_mem>> -> memref<1x!tpu.dma_semaphore, #tpu.memory_space<semaphore_mem>>
      %dma_wait3A_225 = tpu.memref_squeeze %dma_wait3A_224 : memref<1x!tpu.dma_semaphore, #tpu.memory_space<semaphore_mem>> -> memref<!tpu.dma_semaphore, #tpu.memory_space<semaphore_mem>>
      tpu.wait_indirect_dma semaphore(%dma_wait3A_225 : memref<!tpu.dma_semaphore, #tpu.memory_space<semaphore_mem>>) src(%dma_wait3A_223 : memref<1000000x32xf32, #tpu.memory_space<hbm>>) dst(%dma_wait3A_217 : memref<128x32xf32, #tpu.memory_space<vmem>>)
      %mul3A_226 = arith.constant 8 : i32
      %mul3A_227 = arith.muli %scan3A_133, %mul3A_226 : i32
      %add3A_228 = arith.constant 2 : i32
      %add3A_229 = arith.addi %mul3A_227, %add3A_228 : i32
      %mul3A_230 = arith.constant 128 : i32
      %mul3A_231 = arith.muli %add3A, %mul3A_230 : i32
      %dma_start3A_232 = arith.constant 2 : i32
      %dma_start3A_233 = arith.constant 2 : i32
      %dma_start3A_234 = arith.constant 0 : i32
      %dma_start3A_235 = arith.constant 0 : i32
      %dma_start3A_236 = tpu.memref_slice %arg6[%dma_start3A_232, %dma_start3A_234, %dma_start3A_235] : memref<8x128x32xf32, #tpu.memory_space<vmem>> -> memref<1x128x32xf32, #tpu.memory_space<vmem>>
      %dma_start3A_237 = tpu.memref_squeeze %dma_start3A_236 : memref<1x128x32xf32, #tpu.memory_space<vmem>> -> memref<128x32xf32, #tpu.memory_space<vmem>>
      %dma_start3A_238 = arith.constant 0 : i32
      %dma_start3A_239 = tpu.memref_slice %arg4[%add3A_229, %mul3A_231, %dma_start3A_238] : memref<200x4096x32xf32, #tpu.memory_space<hbm>> -> memref<1x128x32xf32, #tpu.memory_space<hbm>>
      %dma_start3A_240 = tpu.memref_squeeze %dma_start3A_239 : memref<1x128x32xf32, #tpu.memory_space<hbm>> -> memref<128x32xf32, #tpu.memory_space<hbm>>
      %dma_start3A_241 = tpu.memref_slice %arg8[%dma_start3A_233] : memref<8x!tpu.dma_semaphore, #tpu.memory_space<semaphore_mem>> -> memref<1x!tpu.dma_semaphore, #tpu.memory_space<semaphore_mem>>
      %dma_start3A_242 = tpu.memref_squeeze %dma_start3A_241 : memref<1x!tpu.dma_semaphore, #tpu.memory_space<semaphore_mem>> -> memref<!tpu.dma_semaphore, #tpu.memory_space<semaphore_mem>>
      %dma_start3A_243 = arith.constant 0 : i32
      %dma_start3A_244 = tpu.memref_slice %arg4[%add3A_229, %mul3A_231, %dma_start3A_243] : memref<200x4096x32xf32, #tpu.memory_space<hbm>> -> memref<1x128x32xf32, #tpu.memory_space<hbm>>
      %dma_start3A_245 = tpu.memref_squeeze %dma_start3A_244 : memref<1x128x32xf32, #tpu.memory_space<hbm>> -> memref<128x32xf32, #tpu.memory_space<hbm>>
      %dma_start3A_246 = arith.constant 0 : i32
      %dma_start3A_247 = arith.constant 0 : i32
      %dma_start3A_248 = tpu.memref_slice %arg6[%dma_start3A_232, %dma_start3A_246, %dma_start3A_247] : memref<8x128x32xf32, #tpu.memory_space<vmem>> -> memref<1x128x32xf32, #tpu.memory_space<vmem>>
      %dma_start3A_249 = tpu.memref_squeeze %dma_start3A_248 : memref<1x128x32xf32, #tpu.memory_space<vmem>> -> memref<128x32xf32, #tpu.memory_space<vmem>>
      tpu.enqueue_dma source(%dma_start3A_249 : memref<128x32xf32, #tpu.memory_space<vmem>>) target(%dma_start3A_245 : memref<128x32xf32, #tpu.memory_space<hbm>>) target_semaphore(%dma_start3A_242 : memref<!tpu.dma_semaphore, #tpu.memory_space<semaphore_mem>>)
      %dma_wait3A_250 = arith.constant 3 : i32
      %dma_wait3A_251 = arith.constant 3 : i32
      %dma_wait3A_252 = arith.constant 3 : i32
      %dma_wait3A_253 = arith.constant 0 : i32
      %dma_wait3A_254 = arith.constant 0 : i32
      %dma_wait3A_255 = tpu.memref_slice %arg6[%dma_wait3A_251, %dma_wait3A_253, %dma_wait3A_254] : memref<8x128x32xf32, #tpu.memory_space<vmem>> -> memref<1x128x32xf32, #tpu.memory_space<vmem>>
      %dma_wait3A_256 = tpu.memref_squeeze %dma_wait3A_255 : memref<1x128x32xf32, #tpu.memory_space<vmem>> -> memref<128x32xf32, #tpu.memory_space<vmem>>
      %dma_wait3A_257 = arith.constant 0 : i32
      %dma_wait3A_258 = tpu.memref_slice %arg5[%scan3A_133, %dma_wait3A_250, %dma_wait3A_257] : memref<25x8x128xi32, #tpu.memory_space<vmem>> -> memref<1x1x128xi32, #tpu.memory_space<vmem>>
      %dma_wait3A_259 = tpu.memref_squeeze %dma_wait3A_258 : memref<1x1x128xi32, #tpu.memory_space<vmem>> -> memref<128xi32, #tpu.memory_space<vmem>>
      %dma_wait3A_260 = arith.constant 0 : i32
      %dma_wait3A_261 = arith.constant 0 : i32
      %dma_wait3A_262 = tpu.memref_slice %arg2[%dma_wait3A_260, %dma_wait3A_261] : memref<1000000x32xf32, #tpu.memory_space<hbm>> -> memref<1000000x32xf32, #tpu.memory_space<hbm>>
      %dma_wait3A_263 = tpu.memref_slice %arg7[%dma_wait3A_252] : memref<8x!tpu.dma_semaphore, #tpu.memory_space<semaphore_mem>> -> memref<1x!tpu.dma_semaphore, #tpu.memory_space<semaphore_mem>>
      %dma_wait3A_264 = tpu.memref_squeeze %dma_wait3A_263 : memref<1x!tpu.dma_semaphore, #tpu.memory_space<semaphore_mem>> -> memref<!tpu.dma_semaphore, #tpu.memory_space<semaphore_mem>>
      tpu.wait_indirect_dma semaphore(%dma_wait3A_264 : memref<!tpu.dma_semaphore, #tpu.memory_space<semaphore_mem>>) src(%dma_wait3A_262 : memref<1000000x32xf32, #tpu.memory_space<hbm>>) dst(%dma_wait3A_256 : memref<128x32xf32, #tpu.memory_space<vmem>>)
      %mul3A_265 = arith.constant 8 : i32
      %mul3A_266 = arith.muli %scan3A_133, %mul3A_265 : i32
      %add3A_267 = arith.constant 3 : i32
      %add3A_268 = arith.addi %mul3A_266, %add3A_267 : i32
      %mul3A_269 = arith.constant 128 : i32
      %mul3A_270 = arith.muli %add3A, %mul3A_269 : i32
      %dma_start3A_271 = arith.constant 3 : i32
      %dma_start3A_272 = arith.constant 3 : i32
      %dma_start3A_273 = arith.constant 0 : i32
      %dma_start3A_274 = arith.constant 0 : i32
      %dma_start3A_275 = tpu.memref_slice %arg6[%dma_start3A_271, %dma_start3A_273, %dma_start3A_274] : memref<8x128x32xf32, #tpu.memory_space<vmem>> -> memref<1x128x32xf32, #tpu.memory_space<vmem>>
      %dma_start3A_276 = tpu.memref_squeeze %dma_start3A_275 : memref<1x128x32xf32, #tpu.memory_space<vmem>> -> memref<128x32xf32, #tpu.memory_space<vmem>>
      %dma_start3A_277 = arith.constant 0 : i32
      %dma_start3A_278 = tpu.memref_slice %arg4[%add3A_268, %mul3A_270, %dma_start3A_277] : memref<200x4096x32xf32, #tpu.memory_space<hbm>> -> memref<1x128x32xf32, #tpu.memory_space<hbm>>
      %dma_start3A_279 = tpu.memref_squeeze %dma_start3A_278 : memref<1x128x32xf32, #tpu.memory_space<hbm>> -> memref<128x32xf32, #tpu.memory_space<hbm>>
      %dma_start3A_280 = tpu.memref_slice %arg8[%dma_start3A_272] : memref<8x!tpu.dma_semaphore, #tpu.memory_space<semaphore_mem>> -> memref<1x!tpu.dma_semaphore, #tpu.memory_space<semaphore_mem>>
      %dma_start3A_281 = tpu.memref_squeeze %dma_start3A_280 : memref<1x!tpu.dma_semaphore, #tpu.memory_space<semaphore_mem>> -> memref<!tpu.dma_semaphore, #tpu.memory_space<semaphore_mem>>
      %dma_start3A_282 = arith.constant 0 : i32
      %dma_start3A_283 = tpu.memref_slice %arg4[%add3A_268, %mul3A_270, %dma_start3A_282] : memref<200x4096x32xf32, #tpu.memory_space<hbm>> -> memref<1x128x32xf32, #tpu.memory_space<hbm>>
      %dma_start3A_284 = tpu.memref_squeeze %dma_start3A_283 : memref<1x128x32xf32, #tpu.memory_space<hbm>> -> memref<128x32xf32, #tpu.memory_space<hbm>>
      %dma_start3A_285 = arith.constant 0 : i32
      %dma_start3A_286 = arith.constant 0 : i32
      %dma_start3A_287 = tpu.memref_slice %arg6[%dma_start3A_271, %dma_start3A_285, %dma_start3A_286] : memref<8x128x32xf32, #tpu.memory_space<vmem>> -> memref<1x128x32xf32, #tpu.memory_space<vmem>>
      %dma_start3A_288 = tpu.memref_squeeze %dma_start3A_287 : memref<1x128x32xf32, #tpu.memory_space<vmem>> -> memref<128x32xf32, #tpu.memory_space<vmem>>
      tpu.enqueue_dma source(%dma_start3A_288 : memref<128x32xf32, #tpu.memory_space<vmem>>) target(%dma_start3A_284 : memref<128x32xf32, #tpu.memory_space<hbm>>) target_semaphore(%dma_start3A_281 : memref<!tpu.dma_semaphore, #tpu.memory_space<semaphore_mem>>)
      %dma_wait3A_289 = arith.constant 4 : i32
      %dma_wait3A_290 = arith.constant 4 : i32
      %dma_wait3A_291 = arith.constant 4 : i32
      %dma_wait3A_292 = arith.constant 0 : i32
      %dma_wait3A_293 = arith.constant 0 : i32
      %dma_wait3A_294 = tpu.memref_slice %arg6[%dma_wait3A_290, %dma_wait3A_292, %dma_wait3A_293] : memref<8x128x32xf32, #tpu.memory_space<vmem>> -> memref<1x128x32xf32, #tpu.memory_space<vmem>>
      %dma_wait3A_295 = tpu.memref_squeeze %dma_wait3A_294 : memref<1x128x32xf32, #tpu.memory_space<vmem>> -> memref<128x32xf32, #tpu.memory_space<vmem>>
      %dma_wait3A_296 = arith.constant 0 : i32
      %dma_wait3A_297 = tpu.memref_slice %arg5[%scan3A_133, %dma_wait3A_289, %dma_wait3A_296] : memref<25x8x128xi32, #tpu.memory_space<vmem>> -> memref<1x1x128xi32, #tpu.memory_space<vmem>>
      %dma_wait3A_298 = tpu.memref_squeeze %dma_wait3A_297 : memref<1x1x128xi32, #tpu.memory_space<vmem>> -> memref<128xi32, #tpu.memory_space<vmem>>
      %dma_wait3A_299 = arith.constant 0 : i32
      %dma_wait3A_300 = arith.constant 0 : i32
      %dma_wait3A_301 = tpu.memref_slice %arg2[%dma_wait3A_299, %dma_wait3A_300] : memref<1000000x32xf32, #tpu.memory_space<hbm>> -> memref<1000000x32xf32, #tpu.memory_space<hbm>>
      %dma_wait3A_302 = tpu.memref_slice %arg7[%dma_wait3A_291] : memref<8x!tpu.dma_semaphore, #tpu.memory_space<semaphore_mem>> -> memref<1x!tpu.dma_semaphore, #tpu.memory_space<semaphore_mem>>
      %dma_wait3A_303 = tpu.memref_squeeze %dma_wait3A_302 : memref<1x!tpu.dma_semaphore, #tpu.memory_space<semaphore_mem>> -> memref<!tpu.dma_semaphore, #tpu.memory_space<semaphore_mem>>
      tpu.wait_indirect_dma semaphore(%dma_wait3A_303 : memref<!tpu.dma_semaphore, #tpu.memory_space<semaphore_mem>>) src(%dma_wait3A_301 : memref<1000000x32xf32, #tpu.memory_space<hbm>>) dst(%dma_wait3A_295 : memref<128x32xf32, #tpu.memory_space<vmem>>)
      %mul3A_304 = arith.constant 8 : i32
      %mul3A_305 = arith.muli %scan3A_133, %mul3A_304 : i32
      %add3A_306 = arith.constant 4 : i32
      %add3A_307 = arith.addi %mul3A_305, %add3A_306 : i32
      %mul3A_308 = arith.constant 128 : i32
      %mul3A_309 = arith.muli %add3A, %mul3A_308 : i32
      %dma_start3A_310 = arith.constant 4 : i32
      %dma_start3A_311 = arith.constant 4 : i32
      %dma_start3A_312 = arith.constant 0 : i32
      %dma_start3A_313 = arith.constant 0 : i32
      %dma_start3A_314 = tpu.memref_slice %arg6[%dma_start3A_310, %dma_start3A_312, %dma_start3A_313] : memref<8x128x32xf32, #tpu.memory_space<vmem>> -> memref<1x128x32xf32, #tpu.memory_space<vmem>>
      %dma_start3A_315 = tpu.memref_squeeze %dma_start3A_314 : memref<1x128x32xf32, #tpu.memory_space<vmem>> -> memref<128x32xf32, #tpu.memory_space<vmem>>
      %dma_start3A_316 = arith.constant 0 : i32
      %dma_start3A_317 = tpu.memref_slice %arg4[%add3A_307, %mul3A_309, %dma_start3A_316] : memref<200x4096x32xf32, #tpu.memory_space<hbm>> -> memref<1x128x32xf32, #tpu.memory_space<hbm>>
      %dma_start3A_318 = tpu.memref_squeeze %dma_start3A_317 : memref<1x128x32xf32, #tpu.memory_space<hbm>> -> memref<128x32xf32, #tpu.memory_space<hbm>>
      %dma_start3A_319 = tpu.memref_slice %arg8[%dma_start3A_311] : memref<8x!tpu.dma_semaphore, #tpu.memory_space<semaphore_mem>> -> memref<1x!tpu.dma_semaphore, #tpu.memory_space<semaphore_mem>>
      %dma_start3A_320 = tpu.memref_squeeze %dma_start3A_319 : memref<1x!tpu.dma_semaphore, #tpu.memory_space<semaphore_mem>> -> memref<!tpu.dma_semaphore, #tpu.memory_space<semaphore_mem>>
      %dma_start3A_321 = arith.constant 0 : i32
      %dma_start3A_322 = tpu.memref_slice %arg4[%add3A_307, %mul3A_309, %dma_start3A_321] : memref<200x4096x32xf32, #tpu.memory_space<hbm>> -> memref<1x128x32xf32, #tpu.memory_space<hbm>>
      %dma_start3A_323 = tpu.memref_squeeze %dma_start3A_322 : memref<1x128x32xf32, #tpu.memory_space<hbm>> -> memref<128x32xf32, #tpu.memory_space<hbm>>
      %dma_start3A_324 = arith.constant 0 : i32
      %dma_start3A_325 = arith.constant 0 : i32
      %dma_start3A_326 = tpu.memref_slice %arg6[%dma_start3A_310, %dma_start3A_324, %dma_start3A_325] : memref<8x128x32xf32, #tpu.memory_space<vmem>> -> memref<1x128x32xf32, #tpu.memory_space<vmem>>
      %dma_start3A_327 = tpu.memref_squeeze %dma_start3A_326 : memref<1x128x32xf32, #tpu.memory_space<vmem>> -> memref<128x32xf32, #tpu.memory_space<vmem>>
      tpu.enqueue_dma source(%dma_start3A_327 : memref<128x32xf32, #tpu.memory_space<vmem>>) target(%dma_start3A_323 : memref<128x32xf32, #tpu.memory_space<hbm>>) target_semaphore(%dma_start3A_320 : memref<!tpu.dma_semaphore, #tpu.memory_space<semaphore_mem>>)
      %dma_wait3A_328 = arith.constant 5 : i32
      %dma_wait3A_329 = arith.constant 5 : i32
      %dma_wait3A_330 = arith.constant 5 : i32
      %dma_wait3A_331 = arith.constant 0 : i32
      %dma_wait3A_332 = arith.constant 0 : i32
      %dma_wait3A_333 = tpu.memref_slice %arg6[%dma_wait3A_329, %dma_wait3A_331, %dma_wait3A_332] : memref<8x128x32xf32, #tpu.memory_space<vmem>> -> memref<1x128x32xf32, #tpu.memory_space<vmem>>
      %dma_wait3A_334 = tpu.memref_squeeze %dma_wait3A_333 : memref<1x128x32xf32, #tpu.memory_space<vmem>> -> memref<128x32xf32, #tpu.memory_space<vmem>>
      %dma_wait3A_335 = arith.constant 0 : i32
      %dma_wait3A_336 = tpu.memref_slice %arg5[%scan3A_133, %dma_wait3A_328, %dma_wait3A_335] : memref<25x8x128xi32, #tpu.memory_space<vmem>> -> memref<1x1x128xi32, #tpu.memory_space<vmem>>
      %dma_wait3A_337 = tpu.memref_squeeze %dma_wait3A_336 : memref<1x1x128xi32, #tpu.memory_space<vmem>> -> memref<128xi32, #tpu.memory_space<vmem>>
      %dma_wait3A_338 = arith.constant 0 : i32
      %dma_wait3A_339 = arith.constant 0 : i32
      %dma_wait3A_340 = tpu.memref_slice %arg2[%dma_wait3A_338, %dma_wait3A_339] : memref<1000000x32xf32, #tpu.memory_space<hbm>> -> memref<1000000x32xf32, #tpu.memory_space<hbm>>
      %dma_wait3A_341 = tpu.memref_slice %arg7[%dma_wait3A_330] : memref<8x!tpu.dma_semaphore, #tpu.memory_space<semaphore_mem>> -> memref<1x!tpu.dma_semaphore, #tpu.memory_space<semaphore_mem>>
      %dma_wait3A_342 = tpu.memref_squeeze %dma_wait3A_341 : memref<1x!tpu.dma_semaphore, #tpu.memory_space<semaphore_mem>> -> memref<!tpu.dma_semaphore, #tpu.memory_space<semaphore_mem>>
      tpu.wait_indirect_dma semaphore(%dma_wait3A_342 : memref<!tpu.dma_semaphore, #tpu.memory_space<semaphore_mem>>) src(%dma_wait3A_340 : memref<1000000x32xf32, #tpu.memory_space<hbm>>) dst(%dma_wait3A_334 : memref<128x32xf32, #tpu.memory_space<vmem>>)
      %mul3A_343 = arith.constant 8 : i32
      %mul3A_344 = arith.muli %scan3A_133, %mul3A_343 : i32
      %add3A_345 = arith.constant 5 : i32
      %add3A_346 = arith.addi %mul3A_344, %add3A_345 : i32
      %mul3A_347 = arith.constant 128 : i32
      %mul3A_348 = arith.muli %add3A, %mul3A_347 : i32
      %dma_start3A_349 = arith.constant 5 : i32
      %dma_start3A_350 = arith.constant 5 : i32
      %dma_start3A_351 = arith.constant 0 : i32
      %dma_start3A_352 = arith.constant 0 : i32
      %dma_start3A_353 = tpu.memref_slice %arg6[%dma_start3A_349, %dma_start3A_351, %dma_start3A_352] : memref<8x128x32xf32, #tpu.memory_space<vmem>> -> memref<1x128x32xf32, #tpu.memory_space<vmem>>
      %dma_start3A_354 = tpu.memref_squeeze %dma_start3A_353 : memref<1x128x32xf32, #tpu.memory_space<vmem>> -> memref<128x32xf32, #tpu.memory_space<vmem>>
      %dma_start3A_355 = arith.constant 0 : i32
      %dma_start3A_356 = tpu.memref_slice %arg4[%add3A_346, %mul3A_348, %dma_start3A_355] : memref<200x4096x32xf32, #tpu.memory_space<hbm>> -> memref<1x128x32xf32, #tpu.memory_space<hbm>>
      %dma_start3A_357 = tpu.memref_squeeze %dma_start3A_356 : memref<1x128x32xf32, #tpu.memory_space<hbm>> -> memref<128x32xf32, #tpu.memory_space<hbm>>
      %dma_start3A_358 = tpu.memref_slice %arg8[%dma_start3A_350] : memref<8x!tpu.dma_semaphore, #tpu.memory_space<semaphore_mem>> -> memref<1x!tpu.dma_semaphore, #tpu.memory_space<semaphore_mem>>
      %dma_start3A_359 = tpu.memref_squeeze %dma_start3A_358 : memref<1x!tpu.dma_semaphore, #tpu.memory_space<semaphore_mem>> -> memref<!tpu.dma_semaphore, #tpu.memory_space<semaphore_mem>>
      %dma_start3A_360 = arith.constant 0 : i32
      %dma_start3A_361 = tpu.memref_slice %arg4[%add3A_346, %mul3A_348, %dma_start3A_360] : memref<200x4096x32xf32, #tpu.memory_space<hbm>> -> memref<1x128x32xf32, #tpu.memory_space<hbm>>
      %dma_start3A_362 = tpu.memref_squeeze %dma_start3A_361 : memref<1x128x32xf32, #tpu.memory_space<hbm>> -> memref<128x32xf32, #tpu.memory_space<hbm>>
      %dma_start3A_363 = arith.constant 0 : i32
      %dma_start3A_364 = arith.constant 0 : i32
      %dma_start3A_365 = tpu.memref_slice %arg6[%dma_start3A_349, %dma_start3A_363, %dma_start3A_364] : memref<8x128x32xf32, #tpu.memory_space<vmem>> -> memref<1x128x32xf32, #tpu.memory_space<vmem>>
      %dma_start3A_366 = tpu.memref_squeeze %dma_start3A_365 : memref<1x128x32xf32, #tpu.memory_space<vmem>> -> memref<128x32xf32, #tpu.memory_space<vmem>>
      tpu.enqueue_dma source(%dma_start3A_366 : memref<128x32xf32, #tpu.memory_space<vmem>>) target(%dma_start3A_362 : memref<128x32xf32, #tpu.memory_space<hbm>>) target_semaphore(%dma_start3A_359 : memref<!tpu.dma_semaphore, #tpu.memory_space<semaphore_mem>>)
      %dma_wait3A_367 = arith.constant 6 : i32
      %dma_wait3A_368 = arith.constant 6 : i32
      %dma_wait3A_369 = arith.constant 6 : i32
      %dma_wait3A_370 = arith.constant 0 : i32
      %dma_wait3A_371 = arith.constant 0 : i32
      %dma_wait3A_372 = tpu.memref_slice %arg6[%dma_wait3A_368, %dma_wait3A_370, %dma_wait3A_371] : memref<8x128x32xf32, #tpu.memory_space<vmem>> -> memref<1x128x32xf32, #tpu.memory_space<vmem>>
      %dma_wait3A_373 = tpu.memref_squeeze %dma_wait3A_372 : memref<1x128x32xf32, #tpu.memory_space<vmem>> -> memref<128x32xf32, #tpu.memory_space<vmem>>
      %dma_wait3A_374 = arith.constant 0 : i32
      %dma_wait3A_375 = tpu.memref_slice %arg5[%scan3A_133, %dma_wait3A_367, %dma_wait3A_374] : memref<25x8x128xi32, #tpu.memory_space<vmem>> -> memref<1x1x128xi32, #tpu.memory_space<vmem>>
      %dma_wait3A_376 = tpu.memref_squeeze %dma_wait3A_375 : memref<1x1x128xi32, #tpu.memory_space<vmem>> -> memref<128xi32, #tpu.memory_space<vmem>>
      %dma_wait3A_377 = arith.constant 0 : i32
      %dma_wait3A_378 = arith.constant 0 : i32
      %dma_wait3A_379 = tpu.memref_slice %arg2[%dma_wait3A_377, %dma_wait3A_378] : memref<1000000x32xf32, #tpu.memory_space<hbm>> -> memref<1000000x32xf32, #tpu.memory_space<hbm>>
      %dma_wait3A_380 = tpu.memref_slice %arg7[%dma_wait3A_369] : memref<8x!tpu.dma_semaphore, #tpu.memory_space<semaphore_mem>> -> memref<1x!tpu.dma_semaphore, #tpu.memory_space<semaphore_mem>>
      %dma_wait3A_381 = tpu.memref_squeeze %dma_wait3A_380 : memref<1x!tpu.dma_semaphore, #tpu.memory_space<semaphore_mem>> -> memref<!tpu.dma_semaphore, #tpu.memory_space<semaphore_mem>>
      tpu.wait_indirect_dma semaphore(%dma_wait3A_381 : memref<!tpu.dma_semaphore, #tpu.memory_space<semaphore_mem>>) src(%dma_wait3A_379 : memref<1000000x32xf32, #tpu.memory_space<hbm>>) dst(%dma_wait3A_373 : memref<128x32xf32, #tpu.memory_space<vmem>>)
      %mul3A_382 = arith.constant 8 : i32
      %mul3A_383 = arith.muli %scan3A_133, %mul3A_382 : i32
      %add3A_384 = arith.constant 6 : i32
      %add3A_385 = arith.addi %mul3A_383, %add3A_384 : i32
      %mul3A_386 = arith.constant 128 : i32
      %mul3A_387 = arith.muli %add3A, %mul3A_386 : i32
      %dma_start3A_388 = arith.constant 6 : i32
      %dma_start3A_389 = arith.constant 6 : i32
      %dma_start3A_390 = arith.constant 0 : i32
      %dma_start3A_391 = arith.constant 0 : i32
      %dma_start3A_392 = tpu.memref_slice %arg6[%dma_start3A_388, %dma_start3A_390, %dma_start3A_391] : memref<8x128x32xf32, #tpu.memory_space<vmem>> -> memref<1x128x32xf32, #tpu.memory_space<vmem>>
      %dma_start3A_393 = tpu.memref_squeeze %dma_start3A_392 : memref<1x128x32xf32, #tpu.memory_space<vmem>> -> memref<128x32xf32, #tpu.memory_space<vmem>>
      %dma_start3A_394 = arith.constant 0 : i32
      %dma_start3A_395 = tpu.memref_slice %arg4[%add3A_385, %mul3A_387, %dma_start3A_394] : memref<200x4096x32xf32, #tpu.memory_space<hbm>> -> memref<1x128x32xf32, #tpu.memory_space<hbm>>
      %dma_start3A_396 = tpu.memref_squeeze %dma_start3A_395 : memref<1x128x32xf32, #tpu.memory_space<hbm>> -> memref<128x32xf32, #tpu.memory_space<hbm>>
      %dma_start3A_397 = tpu.memref_slice %arg8[%dma_start3A_389] : memref<8x!tpu.dma_semaphore, #tpu.memory_space<semaphore_mem>> -> memref<1x!tpu.dma_semaphore, #tpu.memory_space<semaphore_mem>>
      %dma_start3A_398 = tpu.memref_squeeze %dma_start3A_397 : memref<1x!tpu.dma_semaphore, #tpu.memory_space<semaphore_mem>> -> memref<!tpu.dma_semaphore, #tpu.memory_space<semaphore_mem>>
      %dma_start3A_399 = arith.constant 0 : i32
      %dma_start3A_400 = tpu.memref_slice %arg4[%add3A_385, %mul3A_387, %dma_start3A_399] : memref<200x4096x32xf32, #tpu.memory_space<hbm>> -> memref<1x128x32xf32, #tpu.memory_space<hbm>>
      %dma_start3A_401 = tpu.memref_squeeze %dma_start3A_400 : memref<1x128x32xf32, #tpu.memory_space<hbm>> -> memref<128x32xf32, #tpu.memory_space<hbm>>
      %dma_start3A_402 = arith.constant 0 : i32
      %dma_start3A_403 = arith.constant 0 : i32
      %dma_start3A_404 = tpu.memref_slice %arg6[%dma_start3A_388, %dma_start3A_402, %dma_start3A_403] : memref<8x128x32xf32, #tpu.memory_space<vmem>> -> memref<1x128x32xf32, #tpu.memory_space<vmem>>
      %dma_start3A_405 = tpu.memref_squeeze %dma_start3A_404 : memref<1x128x32xf32, #tpu.memory_space<vmem>> -> memref<128x32xf32, #tpu.memory_space<vmem>>
      tpu.enqueue_dma source(%dma_start3A_405 : memref<128x32xf32, #tpu.memory_space<vmem>>) target(%dma_start3A_401 : memref<128x32xf32, #tpu.memory_space<hbm>>) target_semaphore(%dma_start3A_398 : memref<!tpu.dma_semaphore, #tpu.memory_space<semaphore_mem>>)
      %dma_wait3A_406 = arith.constant 7 : i32
      %dma_wait3A_407 = arith.constant 7 : i32
      %dma_wait3A_408 = arith.constant 7 : i32
      %dma_wait3A_409 = arith.constant 0 : i32
      %dma_wait3A_410 = arith.constant 0 : i32
      %dma_wait3A_411 = tpu.memref_slice %arg6[%dma_wait3A_407, %dma_wait3A_409, %dma_wait3A_410] : memref<8x128x32xf32, #tpu.memory_space<vmem>> -> memref<1x128x32xf32, #tpu.memory_space<vmem>>
      %dma_wait3A_412 = tpu.memref_squeeze %dma_wait3A_411 : memref<1x128x32xf32, #tpu.memory_space<vmem>> -> memref<128x32xf32, #tpu.memory_space<vmem>>
      %dma_wait3A_413 = arith.constant 0 : i32
      %dma_wait3A_414 = tpu.memref_slice %arg5[%scan3A_133, %dma_wait3A_406, %dma_wait3A_413] : memref<25x8x128xi32, #tpu.memory_space<vmem>> -> memref<1x1x128xi32, #tpu.memory_space<vmem>>
      %dma_wait3A_415 = tpu.memref_squeeze %dma_wait3A_414 : memref<1x1x128xi32, #tpu.memory_space<vmem>> -> memref<128xi32, #tpu.memory_space<vmem>>
      %dma_wait3A_416 = arith.constant 0 : i32
      %dma_wait3A_417 = arith.constant 0 : i32
      %dma_wait3A_418 = tpu.memref_slice %arg2[%dma_wait3A_416, %dma_wait3A_417] : memref<1000000x32xf32, #tpu.memory_space<hbm>> -> memref<1000000x32xf32, #tpu.memory_space<hbm>>
      %dma_wait3A_419 = tpu.memref_slice %arg7[%dma_wait3A_408] : memref<8x!tpu.dma_semaphore, #tpu.memory_space<semaphore_mem>> -> memref<1x!tpu.dma_semaphore, #tpu.memory_space<semaphore_mem>>
      %dma_wait3A_420 = tpu.memref_squeeze %dma_wait3A_419 : memref<1x!tpu.dma_semaphore, #tpu.memory_space<semaphore_mem>> -> memref<!tpu.dma_semaphore, #tpu.memory_space<semaphore_mem>>
      tpu.wait_indirect_dma semaphore(%dma_wait3A_420 : memref<!tpu.dma_semaphore, #tpu.memory_space<semaphore_mem>>) src(%dma_wait3A_418 : memref<1000000x32xf32, #tpu.memory_space<hbm>>) dst(%dma_wait3A_412 : memref<128x32xf32, #tpu.memory_space<vmem>>)
      %mul3A_421 = arith.constant 8 : i32
      %mul3A_422 = arith.muli %scan3A_133, %mul3A_421 : i32
      %add3A_423 = arith.constant 7 : i32
      %add3A_424 = arith.addi %mul3A_422, %add3A_423 : i32
      %mul3A_425 = arith.constant 128 : i32
      %mul3A_426 = arith.muli %add3A, %mul3A_425 : i32
      %dma_start3A_427 = arith.constant 7 : i32
      %dma_start3A_428 = arith.constant 7 : i32
      %dma_start3A_429 = arith.constant 0 : i32
      %dma_start3A_430 = arith.constant 0 : i32
      %dma_start3A_431 = tpu.memref_slice %arg6[%dma_start3A_427, %dma_start3A_429, %dma_start3A_430] : memref<8x128x32xf32, #tpu.memory_space<vmem>> -> memref<1x128x32xf32, #tpu.memory_space<vmem>>
      %dma_start3A_432 = tpu.memref_squeeze %dma_start3A_431 : memref<1x128x32xf32, #tpu.memory_space<vmem>> -> memref<128x32xf32, #tpu.memory_space<vmem>>
      %dma_start3A_433 = arith.constant 0 : i32
      %dma_start3A_434 = tpu.memref_slice %arg4[%add3A_424, %mul3A_426, %dma_start3A_433] : memref<200x4096x32xf32, #tpu.memory_space<hbm>> -> memref<1x128x32xf32, #tpu.memory_space<hbm>>
      %dma_start3A_435 = tpu.memref_squeeze %dma_start3A_434 : memref<1x128x32xf32, #tpu.memory_space<hbm>> -> memref<128x32xf32, #tpu.memory_space<hbm>>
      %dma_start3A_436 = tpu.memref_slice %arg8[%dma_start3A_428] : memref<8x!tpu.dma_semaphore, #tpu.memory_space<semaphore_mem>> -> memref<1x!tpu.dma_semaphore, #tpu.memory_space<semaphore_mem>>
      %dma_start3A_437 = tpu.memref_squeeze %dma_start3A_436 : memref<1x!tpu.dma_semaphore, #tpu.memory_space<semaphore_mem>> -> memref<!tpu.dma_semaphore, #tpu.memory_space<semaphore_mem>>
      %dma_start3A_438 = arith.constant 0 : i32
      %dma_start3A_439 = tpu.memref_slice %arg4[%add3A_424, %mul3A_426, %dma_start3A_438] : memref<200x4096x32xf32, #tpu.memory_space<hbm>> -> memref<1x128x32xf32, #tpu.memory_space<hbm>>
      %dma_start3A_440 = tpu.memref_squeeze %dma_start3A_439 : memref<1x128x32xf32, #tpu.memory_space<hbm>> -> memref<128x32xf32, #tpu.memory_space<hbm>>
      %dma_start3A_441 = arith.constant 0 : i32
      %dma_start3A_442 = arith.constant 0 : i32
      %dma_start3A_443 = tpu.memref_slice %arg6[%dma_start3A_427, %dma_start3A_441, %dma_start3A_442] : memref<8x128x32xf32, #tpu.memory_space<vmem>> -> memref<1x128x32xf32, #tpu.memory_space<vmem>>
      %dma_start3A_444 = tpu.memref_squeeze %dma_start3A_443 : memref<1x128x32xf32, #tpu.memory_space<vmem>> -> memref<128x32xf32, #tpu.memory_space<vmem>>
      tpu.enqueue_dma source(%dma_start3A_444 : memref<128x32xf32, #tpu.memory_space<vmem>>) target(%dma_start3A_440 : memref<128x32xf32, #tpu.memory_space<hbm>>) target_semaphore(%dma_start3A_437 : memref<!tpu.dma_semaphore, #tpu.memory_space<semaphore_mem>>)
      %dma_wait3A_445 = arith.constant 0 : i32
      %dma_wait3A_446 = arith.constant 0 : i32
      %dma_wait3A_447 = arith.constant 0 : i32
      %dma_wait3A_448 = arith.constant 0 : i32
      %dma_wait3A_449 = arith.constant 0 : i32
      %dma_wait3A_450 = tpu.memref_slice %arg6[%dma_wait3A_445, %dma_wait3A_448, %dma_wait3A_449] : memref<8x128x32xf32, #tpu.memory_space<vmem>> -> memref<1x128x32xf32, #tpu.memory_space<vmem>>
      %dma_wait3A_451 = tpu.memref_squeeze %dma_wait3A_450 : memref<1x128x32xf32, #tpu.memory_space<vmem>> -> memref<128x32xf32, #tpu.memory_space<vmem>>
      %dma_wait3A_452 = arith.constant 0 : i32
      %dma_wait3A_453 = arith.constant 0 : i32
      %dma_wait3A_454 = tpu.memref_slice %arg4[%dma_wait3A_446, %dma_wait3A_452, %dma_wait3A_453] : memref<200x4096x32xf32, #tpu.memory_space<hbm>> -> memref<1x128x32xf32, #tpu.memory_space<hbm>>
      %dma_wait3A_455 = tpu.memref_squeeze %dma_wait3A_454 : memref<1x128x32xf32, #tpu.memory_space<hbm>> -> memref<128x32xf32, #tpu.memory_space<hbm>>
      %dma_wait3A_456 = tpu.memref_slice %arg8[%dma_wait3A_447] : memref<8x!tpu.dma_semaphore, #tpu.memory_space<semaphore_mem>> -> memref<1x!tpu.dma_semaphore, #tpu.memory_space<semaphore_mem>>
      %dma_wait3A_457 = tpu.memref_squeeze %dma_wait3A_456 : memref<1x!tpu.dma_semaphore, #tpu.memory_space<semaphore_mem>> -> memref<!tpu.dma_semaphore, #tpu.memory_space<semaphore_mem>>
      %dma_wait3A_458 = arith.constant 0 : i32
      %dma_wait3A_459 = arith.constant 0 : i32
      %dma_wait3A_460 = tpu.memref_slice %arg4[%dma_wait3A_446, %dma_wait3A_458, %dma_wait3A_459] : memref<200x4096x32xf32, #tpu.memory_space<hbm>> -> memref<1x128x32xf32, #tpu.memory_space<hbm>>
      %dma_wait3A_461 = tpu.memref_squeeze %dma_wait3A_460 : memref<1x128x32xf32, #tpu.memory_space<hbm>> -> memref<128x32xf32, #tpu.memory_space<hbm>>
      %dma_wait3A_462 = arith.constant 0 : i32
      %dma_wait3A_463 = arith.constant 0 : i32
      %dma_wait3A_464 = tpu.memref_slice %arg6[%dma_wait3A_445, %dma_wait3A_462, %dma_wait3A_463] : memref<8x128x32xf32, #tpu.memory_space<vmem>> -> memref<1x128x32xf32, #tpu.memory_space<vmem>>
      %dma_wait3A_465 = tpu.memref_squeeze %dma_wait3A_464 : memref<1x128x32xf32, #tpu.memory_space<vmem>> -> memref<128x32xf32, #tpu.memory_space<vmem>>
      tpu.wait_dma2 semaphore(%dma_wait3A_457 : memref<!tpu.dma_semaphore, #tpu.memory_space<semaphore_mem>>) src(%dma_wait3A_465 : memref<128x32xf32, #tpu.memory_space<vmem>>) dst(%dma_wait3A_461 : memref<128x32xf32, #tpu.memory_space<hbm>>)
      %add3A_466 = arith.constant 1 : i32
      %add3A_467 = arith.addi %scan3A_133, %add3A_466 : i32
      %lt3A = arith.constant 25 : i32
      %lt3A_468 = arith.cmpi slt, %add3A_467, %lt3A : i32
      %convert_element_type3A = arith.extui %lt3A_468 : i1 to i32
      %cond3A = arith.constant 0 : i32
      %cond3A_469 = arith.cmpi ne, %convert_element_type3A, %cond3A : i32
      scf.if %cond3A_469 {
        %add3A_666 = arith.constant 1 : i32
        %add3A_667 = arith.addi %scan3A_133, %add3A_666 : i32
        %dma_start3A_668 = arith.constant 0 : i32
        %dma_start3A_669 = arith.constant 0 : i32
        %dma_start3A_670 = arith.constant 0 : i32
        %dma_start3A_671 = arith.constant 0 : i32
        %dma_start3A_672 = arith.constant 0 : i32
        %dma_start3A_673 = tpu.memref_slice %arg6[%dma_start3A_669, %dma_start3A_671, %dma_start3A_672] : memref<8x128x32xf32, #tpu.memory_space<vmem>> -> memref<1x128x32xf32, #tpu.memory_space<vmem>>
        %dma_start3A_674 = tpu.memref_squeeze %dma_start3A_673 : memref<1x128x32xf32, #tpu.memory_space<vmem>> -> memref<128x32xf32, #tpu.memory_space<vmem>>
        %dma_start3A_675 = arith.constant 0 : i32
        %dma_start3A_676 = tpu.memref_slice %arg5[%add3A_667, %dma_start3A_668, %dma_start3A_675] : memref<25x8x128xi32, #tpu.memory_space<vmem>> -> memref<1x1x128xi32, #tpu.memory_space<vmem>>
        %dma_start3A_677 = tpu.memref_squeeze %dma_start3A_676 : memref<1x1x128xi32, #tpu.memory_space<vmem>> -> memref<128xi32, #tpu.memory_space<vmem>>
        %dma_start3A_678 = arith.constant 0 : i32
        %dma_start3A_679 = arith.constant 0 : i32
        %dma_start3A_680 = tpu.memref_slice %arg2[%dma_start3A_678, %dma_start3A_679] : memref<1000000x32xf32, #tpu.memory_space<hbm>> -> memref<1000000x32xf32, #tpu.memory_space<hbm>>
        %dma_start3A_681 = tpu.memref_slice %arg7[%dma_start3A_670] : memref<8x!tpu.dma_semaphore, #tpu.memory_space<semaphore_mem>> -> memref<1x!tpu.dma_semaphore, #tpu.memory_space<semaphore_mem>>
        %dma_start3A_682 = tpu.memref_squeeze %dma_start3A_681 : memref<1x!tpu.dma_semaphore, #tpu.memory_space<semaphore_mem>> -> memref<!tpu.dma_semaphore, #tpu.memory_space<semaphore_mem>>
        tpu.enqueue_indirect_dma source(%dma_start3A_680 : memref<1000000x32xf32, #tpu.memory_space<hbm>>) target(%dma_start3A_674 : memref<128x32xf32, #tpu.memory_space<vmem>>) offsets(%dma_start3A_677 : memref<128xi32, #tpu.memory_space<vmem>>) semaphore(%dma_start3A_682 : memref<!tpu.dma_semaphore, #tpu.memory_space<semaphore_mem>>)
      } else {
      }
      %dma_wait3A_470 = arith.constant 1 : i32
      %dma_wait3A_471 = arith.constant 0 : i32
      %dma_wait3A_472 = arith.constant 1 : i32
      %dma_wait3A_473 = arith.constant 0 : i32
      %dma_wait3A_474 = arith.constant 0 : i32
      %dma_wait3A_475 = tpu.memref_slice %arg6[%dma_wait3A_470, %dma_wait3A_473, %dma_wait3A_474] : memref<8x128x32xf32, #tpu.memory_space<vmem>> -> memref<1x128x32xf32, #tpu.memory_space<vmem>>
      %dma_wait3A_476 = tpu.memref_squeeze %dma_wait3A_475 : memref<1x128x32xf32, #tpu.memory_space<vmem>> -> memref<128x32xf32, #tpu.memory_space<vmem>>
      %dma_wait3A_477 = arith.constant 0 : i32
      %dma_wait3A_478 = arith.constant 0 : i32
      %dma_wait3A_479 = tpu.memref_slice %arg4[%dma_wait3A_471, %dma_wait3A_477, %dma_wait3A_478] : memref<200x4096x32xf32, #tpu.memory_space<hbm>> -> memref<1x128x32xf32, #tpu.memory_space<hbm>>
      %dma_wait3A_480 = tpu.memref_squeeze %dma_wait3A_479 : memref<1x128x32xf32, #tpu.memory_space<hbm>> -> memref<128x32xf32, #tpu.memory_space<hbm>>
      %dma_wait3A_481 = tpu.memref_slice %arg8[%dma_wait3A_472] : memref<8x!tpu.dma_semaphore, #tpu.memory_space<semaphore_mem>> -> memref<1x!tpu.dma_semaphore, #tpu.memory_space<semaphore_mem>>
      %dma_wait3A_482 = tpu.memref_squeeze %dma_wait3A_481 : memref<1x!tpu.dma_semaphore, #tpu.memory_space<semaphore_mem>> -> memref<!tpu.dma_semaphore, #tpu.memory_space<semaphore_mem>>
      %dma_wait3A_483 = arith.constant 0 : i32
      %dma_wait3A_484 = arith.constant 0 : i32
      %dma_wait3A_485 = tpu.memref_slice %arg4[%dma_wait3A_471, %dma_wait3A_483, %dma_wait3A_484] : memref<200x4096x32xf32, #tpu.memory_space<hbm>> -> memref<1x128x32xf32, #tpu.memory_space<hbm>>
      %dma_wait3A_486 = tpu.memref_squeeze %dma_wait3A_485 : memref<1x128x32xf32, #tpu.memory_space<hbm>> -> memref<128x32xf32, #tpu.memory_space<hbm>>
      %dma_wait3A_487 = arith.constant 0 : i32
      %dma_wait3A_488 = arith.constant 0 : i32
      %dma_wait3A_489 = tpu.memref_slice %arg6[%dma_wait3A_470, %dma_wait3A_487, %dma_wait3A_488] : memref<8x128x32xf32, #tpu.memory_space<vmem>> -> memref<1x128x32xf32, #tpu.memory_space<vmem>>
      %dma_wait3A_490 = tpu.memref_squeeze %dma_wait3A_489 : memref<1x128x32xf32, #tpu.memory_space<vmem>> -> memref<128x32xf32, #tpu.memory_space<vmem>>
      tpu.wait_dma2 semaphore(%dma_wait3A_482 : memref<!tpu.dma_semaphore, #tpu.memory_space<semaphore_mem>>) src(%dma_wait3A_490 : memref<128x32xf32, #tpu.memory_space<vmem>>) dst(%dma_wait3A_486 : memref<128x32xf32, #tpu.memory_space<hbm>>)
      %add3A_491 = arith.constant 1 : i32
      %add3A_492 = arith.addi %scan3A_133, %add3A_491 : i32
      %lt3A_493 = arith.constant 25 : i32
      %lt3A_494 = arith.cmpi slt, %add3A_492, %lt3A_493 : i32
      %convert_element_type3A_495 = arith.extui %lt3A_494 : i1 to i32
      %cond3A_496 = arith.constant 0 : i32
      %cond3A_497 = arith.cmpi ne, %convert_element_type3A_495, %cond3A_496 : i32
      scf.if %cond3A_497 {
        %add3A_666 = arith.constant 1 : i32
        %add3A_667 = arith.addi %scan3A_133, %add3A_666 : i32
        %dma_start3A_668 = arith.constant 1 : i32
        %dma_start3A_669 = arith.constant 1 : i32
        %dma_start3A_670 = arith.constant 1 : i32
        %dma_start3A_671 = arith.constant 0 : i32
        %dma_start3A_672 = arith.constant 0 : i32
        %dma_start3A_673 = tpu.memref_slice %arg6[%dma_start3A_669, %dma_start3A_671, %dma_start3A_672] : memref<8x128x32xf32, #tpu.memory_space<vmem>> -> memref<1x128x32xf32, #tpu.memory_space<vmem>>
        %dma_start3A_674 = tpu.memref_squeeze %dma_start3A_673 : memref<1x128x32xf32, #tpu.memory_space<vmem>> -> memref<128x32xf32, #tpu.memory_space<vmem>>
        %dma_start3A_675 = arith.constant 0 : i32
        %dma_start3A_676 = tpu.memref_slice %arg5[%add3A_667, %dma_start3A_668, %dma_start3A_675] : memref<25x8x128xi32, #tpu.memory_space<vmem>> -> memref<1x1x128xi32, #tpu.memory_space<vmem>>
        %dma_start3A_677 = tpu.memref_squeeze %dma_start3A_676 : memref<1x1x128xi32, #tpu.memory_space<vmem>> -> memref<128xi32, #tpu.memory_space<vmem>>
        %dma_start3A_678 = arith.constant 0 : i32
        %dma_start3A_679 = arith.constant 0 : i32
        %dma_start3A_680 = tpu.memref_slice %arg2[%dma_start3A_678, %dma_start3A_679] : memref<1000000x32xf32, #tpu.memory_space<hbm>> -> memref<1000000x32xf32, #tpu.memory_space<hbm>>
        %dma_start3A_681 = tpu.memref_slice %arg7[%dma_start3A_670] : memref<8x!tpu.dma_semaphore, #tpu.memory_space<semaphore_mem>> -> memref<1x!tpu.dma_semaphore, #tpu.memory_space<semaphore_mem>>
        %dma_start3A_682 = tpu.memref_squeeze %dma_start3A_681 : memref<1x!tpu.dma_semaphore, #tpu.memory_space<semaphore_mem>> -> memref<!tpu.dma_semaphore, #tpu.memory_space<semaphore_mem>>
        tpu.enqueue_indirect_dma source(%dma_start3A_680 : memref<1000000x32xf32, #tpu.memory_space<hbm>>) target(%dma_start3A_674 : memref<128x32xf32, #tpu.memory_space<vmem>>) offsets(%dma_start3A_677 : memref<128xi32, #tpu.memory_space<vmem>>) semaphore(%dma_start3A_682 : memref<!tpu.dma_semaphore, #tpu.memory_space<semaphore_mem>>)
      } else {
      }
      %dma_wait3A_498 = arith.constant 2 : i32
      %dma_wait3A_499 = arith.constant 0 : i32
      %dma_wait3A_500 = arith.constant 2 : i32
      %dma_wait3A_501 = arith.constant 0 : i32
      %dma_wait3A_502 = arith.constant 0 : i32
      %dma_wait3A_503 = tpu.memref_slice %arg6[%dma_wait3A_498, %dma_wait3A_501, %dma_wait3A_502] : memref<8x128x32xf32, #tpu.memory_space<vmem>> -> memref<1x128x32xf32, #tpu.memory_space<vmem>>
      %dma_wait3A_504 = tpu.memref_squeeze %dma_wait3A_503 : memref<1x128x32xf32, #tpu.memory_space<vmem>> -> memref<128x32xf32, #tpu.memory_space<vmem>>
      %dma_wait3A_505 = arith.constant 0 : i32
      %dma_wait3A_506 = arith.constant 0 : i32
      %dma_wait3A_507 = tpu.memref_slice %arg4[%dma_wait3A_499, %dma_wait3A_505, %dma_wait3A_506] : memref<200x4096x32xf32, #tpu.memory_space<hbm>> -> memref<1x128x32xf32, #tpu.memory_space<hbm>>
      %dma_wait3A_508 = tpu.memref_squeeze %dma_wait3A_507 : memref<1x128x32xf32, #tpu.memory_space<hbm>> -> memref<128x32xf32, #tpu.memory_space<hbm>>
      %dma_wait3A_509 = tpu.memref_slice %arg8[%dma_wait3A_500] : memref<8x!tpu.dma_semaphore, #tpu.memory_space<semaphore_mem>> -> memref<1x!tpu.dma_semaphore, #tpu.memory_space<semaphore_mem>>
      %dma_wait3A_510 = tpu.memref_squeeze %dma_wait3A_509 : memref<1x!tpu.dma_semaphore, #tpu.memory_space<semaphore_mem>> -> memref<!tpu.dma_semaphore, #tpu.memory_space<semaphore_mem>>
      %dma_wait3A_511 = arith.constant 0 : i32
      %dma_wait3A_512 = arith.constant 0 : i32
      %dma_wait3A_513 = tpu.memref_slice %arg4[%dma_wait3A_499, %dma_wait3A_511, %dma_wait3A_512] : memref<200x4096x32xf32, #tpu.memory_space<hbm>> -> memref<1x128x32xf32, #tpu.memory_space<hbm>>
      %dma_wait3A_514 = tpu.memref_squeeze %dma_wait3A_513 : memref<1x128x32xf32, #tpu.memory_space<hbm>> -> memref<128x32xf32, #tpu.memory_space<hbm>>
      %dma_wait3A_515 = arith.constant 0 : i32
      %dma_wait3A_516 = arith.constant 0 : i32
      %dma_wait3A_517 = tpu.memref_slice %arg6[%dma_wait3A_498, %dma_wait3A_515, %dma_wait3A_516] : memref<8x128x32xf32, #tpu.memory_space<vmem>> -> memref<1x128x32xf32, #tpu.memory_space<vmem>>
      %dma_wait3A_518 = tpu.memref_squeeze %dma_wait3A_517 : memref<1x128x32xf32, #tpu.memory_space<vmem>> -> memref<128x32xf32, #tpu.memory_space<vmem>>
      tpu.wait_dma2 semaphore(%dma_wait3A_510 : memref<!tpu.dma_semaphore, #tpu.memory_space<semaphore_mem>>) src(%dma_wait3A_518 : memref<128x32xf32, #tpu.memory_space<vmem>>) dst(%dma_wait3A_514 : memref<128x32xf32, #tpu.memory_space<hbm>>)
      %add3A_519 = arith.constant 1 : i32
      %add3A_520 = arith.addi %scan3A_133, %add3A_519 : i32
      %lt3A_521 = arith.constant 25 : i32
      %lt3A_522 = arith.cmpi slt, %add3A_520, %lt3A_521 : i32
      %convert_element_type3A_523 = arith.extui %lt3A_522 : i1 to i32
      %cond3A_524 = arith.constant 0 : i32
      %cond3A_525 = arith.cmpi ne, %convert_element_type3A_523, %cond3A_524 : i32
      scf.if %cond3A_525 {
        %add3A_666 = arith.constant 1 : i32
        %add3A_667 = arith.addi %scan3A_133, %add3A_666 : i32
        %dma_start3A_668 = arith.constant 2 : i32
        %dma_start3A_669 = arith.constant 2 : i32
        %dma_start3A_670 = arith.constant 2 : i32
        %dma_start3A_671 = arith.constant 0 : i32
        %dma_start3A_672 = arith.constant 0 : i32
        %dma_start3A_673 = tpu.memref_slice %arg6[%dma_start3A_669, %dma_start3A_671, %dma_start3A_672] : memref<8x128x32xf32, #tpu.memory_space<vmem>> -> memref<1x128x32xf32, #tpu.memory_space<vmem>>
        %dma_start3A_674 = tpu.memref_squeeze %dma_start3A_673 : memref<1x128x32xf32, #tpu.memory_space<vmem>> -> memref<128x32xf32, #tpu.memory_space<vmem>>
        %dma_start3A_675 = arith.constant 0 : i32
        %dma_start3A_676 = tpu.memref_slice %arg5[%add3A_667, %dma_start3A_668, %dma_start3A_675] : memref<25x8x128xi32, #tpu.memory_space<vmem>> -> memref<1x1x128xi32, #tpu.memory_space<vmem>>
        %dma_start3A_677 = tpu.memref_squeeze %dma_start3A_676 : memref<1x1x128xi32, #tpu.memory_space<vmem>> -> memref<128xi32, #tpu.memory_space<vmem>>
        %dma_start3A_678 = arith.constant 0 : i32
        %dma_start3A_679 = arith.constant 0 : i32
        %dma_start3A_680 = tpu.memref_slice %arg2[%dma_start3A_678, %dma_start3A_679] : memref<1000000x32xf32, #tpu.memory_space<hbm>> -> memref<1000000x32xf32, #tpu.memory_space<hbm>>
        %dma_start3A_681 = tpu.memref_slice %arg7[%dma_start3A_670] : memref<8x!tpu.dma_semaphore, #tpu.memory_space<semaphore_mem>> -> memref<1x!tpu.dma_semaphore, #tpu.memory_space<semaphore_mem>>
        %dma_start3A_682 = tpu.memref_squeeze %dma_start3A_681 : memref<1x!tpu.dma_semaphore, #tpu.memory_space<semaphore_mem>> -> memref<!tpu.dma_semaphore, #tpu.memory_space<semaphore_mem>>
        tpu.enqueue_indirect_dma source(%dma_start3A_680 : memref<1000000x32xf32, #tpu.memory_space<hbm>>) target(%dma_start3A_674 : memref<128x32xf32, #tpu.memory_space<vmem>>) offsets(%dma_start3A_677 : memref<128xi32, #tpu.memory_space<vmem>>) semaphore(%dma_start3A_682 : memref<!tpu.dma_semaphore, #tpu.memory_space<semaphore_mem>>)
      } else {
      }
      %dma_wait3A_526 = arith.constant 3 : i32
      %dma_wait3A_527 = arith.constant 0 : i32
      %dma_wait3A_528 = arith.constant 3 : i32
      %dma_wait3A_529 = arith.constant 0 : i32
      %dma_wait3A_530 = arith.constant 0 : i32
      %dma_wait3A_531 = tpu.memref_slice %arg6[%dma_wait3A_526, %dma_wait3A_529, %dma_wait3A_530] : memref<8x128x32xf32, #tpu.memory_space<vmem>> -> memref<1x128x32xf32, #tpu.memory_space<vmem>>
      %dma_wait3A_532 = tpu.memref_squeeze %dma_wait3A_531 : memref<1x128x32xf32, #tpu.memory_space<vmem>> -> memref<128x32xf32, #tpu.memory_space<vmem>>
      %dma_wait3A_533 = arith.constant 0 : i32
      %dma_wait3A_534 = arith.constant 0 : i32
      %dma_wait3A_535 = tpu.memref_slice %arg4[%dma_wait3A_527, %dma_wait3A_533, %dma_wait3A_534] : memref<200x4096x32xf32, #tpu.memory_space<hbm>> -> memref<1x128x32xf32, #tpu.memory_space<hbm>>
      %dma_wait3A_536 = tpu.memref_squeeze %dma_wait3A_535 : memref<1x128x32xf32, #tpu.memory_space<hbm>> -> memref<128x32xf32, #tpu.memory_space<hbm>>
      %dma_wait3A_537 = tpu.memref_slice %arg8[%dma_wait3A_528] : memref<8x!tpu.dma_semaphore, #tpu.memory_space<semaphore_mem>> -> memref<1x!tpu.dma_semaphore, #tpu.memory_space<semaphore_mem>>
      %dma_wait3A_538 = tpu.memref_squeeze %dma_wait3A_537 : memref<1x!tpu.dma_semaphore, #tpu.memory_space<semaphore_mem>> -> memref<!tpu.dma_semaphore, #tpu.memory_space<semaphore_mem>>
      %dma_wait3A_539 = arith.constant 0 : i32
      %dma_wait3A_540 = arith.constant 0 : i32
      %dma_wait3A_541 = tpu.memref_slice %arg4[%dma_wait3A_527, %dma_wait3A_539, %dma_wait3A_540] : memref<200x4096x32xf32, #tpu.memory_space<hbm>> -> memref<1x128x32xf32, #tpu.memory_space<hbm>>
      %dma_wait3A_542 = tpu.memref_squeeze %dma_wait3A_541 : memref<1x128x32xf32, #tpu.memory_space<hbm>> -> memref<128x32xf32, #tpu.memory_space<hbm>>
      %dma_wait3A_543 = arith.constant 0 : i32
      %dma_wait3A_544 = arith.constant 0 : i32
      %dma_wait3A_545 = tpu.memref_slice %arg6[%dma_wait3A_526, %dma_wait3A_543, %dma_wait3A_544] : memref<8x128x32xf32, #tpu.memory_space<vmem>> -> memref<1x128x32xf32, #tpu.memory_space<vmem>>
      %dma_wait3A_546 = tpu.memref_squeeze %dma_wait3A_545 : memref<1x128x32xf32, #tpu.memory_space<vmem>> -> memref<128x32xf32, #tpu.memory_space<vmem>>
      tpu.wait_dma2 semaphore(%dma_wait3A_538 : memref<!tpu.dma_semaphore, #tpu.memory_space<semaphore_mem>>) src(%dma_wait3A_546 : memref<128x32xf32, #tpu.memory_space<vmem>>) dst(%dma_wait3A_542 : memref<128x32xf32, #tpu.memory_space<hbm>>)
      %add3A_547 = arith.constant 1 : i32
      %add3A_548 = arith.addi %scan3A_133, %add3A_547 : i32
      %lt3A_549 = arith.constant 25 : i32
      %lt3A_550 = arith.cmpi slt, %add3A_548, %lt3A_549 : i32
      %convert_element_type3A_551 = arith.extui %lt3A_550 : i1 to i32
      %cond3A_552 = arith.constant 0 : i32
      %cond3A_553 = arith.cmpi ne, %convert_element_type3A_551, %cond3A_552 : i32
      scf.if %cond3A_553 {
        %add3A_666 = arith.constant 1 : i32
        %add3A_667 = arith.addi %scan3A_133, %add3A_666 : i32
        %dma_start3A_668 = arith.constant 3 : i32
        %dma_start3A_669 = arith.constant 3 : i32
        %dma_start3A_670 = arith.constant 3 : i32
        %dma_start3A_671 = arith.constant 0 : i32
        %dma_start3A_672 = arith.constant 0 : i32
        %dma_start3A_673 = tpu.memref_slice %arg6[%dma_start3A_669, %dma_start3A_671, %dma_start3A_672] : memref<8x128x32xf32, #tpu.memory_space<vmem>> -> memref<1x128x32xf32, #tpu.memory_space<vmem>>
        %dma_start3A_674 = tpu.memref_squeeze %dma_start3A_673 : memref<1x128x32xf32, #tpu.memory_space<vmem>> -> memref<128x32xf32, #tpu.memory_space<vmem>>
        %dma_start3A_675 = arith.constant 0 : i32
        %dma_start3A_676 = tpu.memref_slice %arg5[%add3A_667, %dma_start3A_668, %dma_start3A_675] : memref<25x8x128xi32, #tpu.memory_space<vmem>> -> memref<1x1x128xi32, #tpu.memory_space<vmem>>
        %dma_start3A_677 = tpu.memref_squeeze %dma_start3A_676 : memref<1x1x128xi32, #tpu.memory_space<vmem>> -> memref<128xi32, #tpu.memory_space<vmem>>
        %dma_start3A_678 = arith.constant 0 : i32
        %dma_start3A_679 = arith.constant 0 : i32
        %dma_start3A_680 = tpu.memref_slice %arg2[%dma_start3A_678, %dma_start3A_679] : memref<1000000x32xf32, #tpu.memory_space<hbm>> -> memref<1000000x32xf32, #tpu.memory_space<hbm>>
        %dma_start3A_681 = tpu.memref_slice %arg7[%dma_start3A_670] : memref<8x!tpu.dma_semaphore, #tpu.memory_space<semaphore_mem>> -> memref<1x!tpu.dma_semaphore, #tpu.memory_space<semaphore_mem>>
        %dma_start3A_682 = tpu.memref_squeeze %dma_start3A_681 : memref<1x!tpu.dma_semaphore, #tpu.memory_space<semaphore_mem>> -> memref<!tpu.dma_semaphore, #tpu.memory_space<semaphore_mem>>
        tpu.enqueue_indirect_dma source(%dma_start3A_680 : memref<1000000x32xf32, #tpu.memory_space<hbm>>) target(%dma_start3A_674 : memref<128x32xf32, #tpu.memory_space<vmem>>) offsets(%dma_start3A_677 : memref<128xi32, #tpu.memory_space<vmem>>) semaphore(%dma_start3A_682 : memref<!tpu.dma_semaphore, #tpu.memory_space<semaphore_mem>>)
      } else {
      }
      %dma_wait3A_554 = arith.constant 4 : i32
      %dma_wait3A_555 = arith.constant 0 : i32
      %dma_wait3A_556 = arith.constant 4 : i32
      %dma_wait3A_557 = arith.constant 0 : i32
      %dma_wait3A_558 = arith.constant 0 : i32
      %dma_wait3A_559 = tpu.memref_slice %arg6[%dma_wait3A_554, %dma_wait3A_557, %dma_wait3A_558] : memref<8x128x32xf32, #tpu.memory_space<vmem>> -> memref<1x128x32xf32, #tpu.memory_space<vmem>>
      %dma_wait3A_560 = tpu.memref_squeeze %dma_wait3A_559 : memref<1x128x32xf32, #tpu.memory_space<vmem>> -> memref<128x32xf32, #tpu.memory_space<vmem>>
      %dma_wait3A_561 = arith.constant 0 : i32
      %dma_wait3A_562 = arith.constant 0 : i32
      %dma_wait3A_563 = tpu.memref_slice %arg4[%dma_wait3A_555, %dma_wait3A_561, %dma_wait3A_562] : memref<200x4096x32xf32, #tpu.memory_space<hbm>> -> memref<1x128x32xf32, #tpu.memory_space<hbm>>
      %dma_wait3A_564 = tpu.memref_squeeze %dma_wait3A_563 : memref<1x128x32xf32, #tpu.memory_space<hbm>> -> memref<128x32xf32, #tpu.memory_space<hbm>>
      %dma_wait3A_565 = tpu.memref_slice %arg8[%dma_wait3A_556] : memref<8x!tpu.dma_semaphore, #tpu.memory_space<semaphore_mem>> -> memref<1x!tpu.dma_semaphore, #tpu.memory_space<semaphore_mem>>
      %dma_wait3A_566 = tpu.memref_squeeze %dma_wait3A_565 : memref<1x!tpu.dma_semaphore, #tpu.memory_space<semaphore_mem>> -> memref<!tpu.dma_semaphore, #tpu.memory_space<semaphore_mem>>
      %dma_wait3A_567 = arith.constant 0 : i32
      %dma_wait3A_568 = arith.constant 0 : i32
      %dma_wait3A_569 = tpu.memref_slice %arg4[%dma_wait3A_555, %dma_wait3A_567, %dma_wait3A_568] : memref<200x4096x32xf32, #tpu.memory_space<hbm>> -> memref<1x128x32xf32, #tpu.memory_space<hbm>>
      %dma_wait3A_570 = tpu.memref_squeeze %dma_wait3A_569 : memref<1x128x32xf32, #tpu.memory_space<hbm>> -> memref<128x32xf32, #tpu.memory_space<hbm>>
      %dma_wait3A_571 = arith.constant 0 : i32
      %dma_wait3A_572 = arith.constant 0 : i32
      %dma_wait3A_573 = tpu.memref_slice %arg6[%dma_wait3A_554, %dma_wait3A_571, %dma_wait3A_572] : memref<8x128x32xf32, #tpu.memory_space<vmem>> -> memref<1x128x32xf32, #tpu.memory_space<vmem>>
      %dma_wait3A_574 = tpu.memref_squeeze %dma_wait3A_573 : memref<1x128x32xf32, #tpu.memory_space<vmem>> -> memref<128x32xf32, #tpu.memory_space<vmem>>
      tpu.wait_dma2 semaphore(%dma_wait3A_566 : memref<!tpu.dma_semaphore, #tpu.memory_space<semaphore_mem>>) src(%dma_wait3A_574 : memref<128x32xf32, #tpu.memory_space<vmem>>) dst(%dma_wait3A_570 : memref<128x32xf32, #tpu.memory_space<hbm>>)
      %add3A_575 = arith.constant 1 : i32
      %add3A_576 = arith.addi %scan3A_133, %add3A_575 : i32
      %lt3A_577 = arith.constant 25 : i32
      %lt3A_578 = arith.cmpi slt, %add3A_576, %lt3A_577 : i32
      %convert_element_type3A_579 = arith.extui %lt3A_578 : i1 to i32
      %cond3A_580 = arith.constant 0 : i32
      %cond3A_581 = arith.cmpi ne, %convert_element_type3A_579, %cond3A_580 : i32
      scf.if %cond3A_581 {
        %add3A_666 = arith.constant 1 : i32
        %add3A_667 = arith.addi %scan3A_133, %add3A_666 : i32
        %dma_start3A_668 = arith.constant 4 : i32
        %dma_start3A_669 = arith.constant 4 : i32
        %dma_start3A_670 = arith.constant 4 : i32
        %dma_start3A_671 = arith.constant 0 : i32
        %dma_start3A_672 = arith.constant 0 : i32
        %dma_start3A_673 = tpu.memref_slice %arg6[%dma_start3A_669, %dma_start3A_671, %dma_start3A_672] : memref<8x128x32xf32, #tpu.memory_space<vmem>> -> memref<1x128x32xf32, #tpu.memory_space<vmem>>
        %dma_start3A_674 = tpu.memref_squeeze %dma_start3A_673 : memref<1x128x32xf32, #tpu.memory_space<vmem>> -> memref<128x32xf32, #tpu.memory_space<vmem>>
        %dma_start3A_675 = arith.constant 0 : i32
        %dma_start3A_676 = tpu.memref_slice %arg5[%add3A_667, %dma_start3A_668, %dma_start3A_675] : memref<25x8x128xi32, #tpu.memory_space<vmem>> -> memref<1x1x128xi32, #tpu.memory_space<vmem>>
        %dma_start3A_677 = tpu.memref_squeeze %dma_start3A_676 : memref<1x1x128xi32, #tpu.memory_space<vmem>> -> memref<128xi32, #tpu.memory_space<vmem>>
        %dma_start3A_678 = arith.constant 0 : i32
        %dma_start3A_679 = arith.constant 0 : i32
        %dma_start3A_680 = tpu.memref_slice %arg2[%dma_start3A_678, %dma_start3A_679] : memref<1000000x32xf32, #tpu.memory_space<hbm>> -> memref<1000000x32xf32, #tpu.memory_space<hbm>>
        %dma_start3A_681 = tpu.memref_slice %arg7[%dma_start3A_670] : memref<8x!tpu.dma_semaphore, #tpu.memory_space<semaphore_mem>> -> memref<1x!tpu.dma_semaphore, #tpu.memory_space<semaphore_mem>>
        %dma_start3A_682 = tpu.memref_squeeze %dma_start3A_681 : memref<1x!tpu.dma_semaphore, #tpu.memory_space<semaphore_mem>> -> memref<!tpu.dma_semaphore, #tpu.memory_space<semaphore_mem>>
        tpu.enqueue_indirect_dma source(%dma_start3A_680 : memref<1000000x32xf32, #tpu.memory_space<hbm>>) target(%dma_start3A_674 : memref<128x32xf32, #tpu.memory_space<vmem>>) offsets(%dma_start3A_677 : memref<128xi32, #tpu.memory_space<vmem>>) semaphore(%dma_start3A_682 : memref<!tpu.dma_semaphore, #tpu.memory_space<semaphore_mem>>)
      } else {
      }
      %dma_wait3A_582 = arith.constant 5 : i32
      %dma_wait3A_583 = arith.constant 0 : i32
      %dma_wait3A_584 = arith.constant 5 : i32
      %dma_wait3A_585 = arith.constant 0 : i32
      %dma_wait3A_586 = arith.constant 0 : i32
      %dma_wait3A_587 = tpu.memref_slice %arg6[%dma_wait3A_582, %dma_wait3A_585, %dma_wait3A_586] : memref<8x128x32xf32, #tpu.memory_space<vmem>> -> memref<1x128x32xf32, #tpu.memory_space<vmem>>
      %dma_wait3A_588 = tpu.memref_squeeze %dma_wait3A_587 : memref<1x128x32xf32, #tpu.memory_space<vmem>> -> memref<128x32xf32, #tpu.memory_space<vmem>>
      %dma_wait3A_589 = arith.constant 0 : i32
      %dma_wait3A_590 = arith.constant 0 : i32
      %dma_wait3A_591 = tpu.memref_slice %arg4[%dma_wait3A_583, %dma_wait3A_589, %dma_wait3A_590] : memref<200x4096x32xf32, #tpu.memory_space<hbm>> -> memref<1x128x32xf32, #tpu.memory_space<hbm>>
      %dma_wait3A_592 = tpu.memref_squeeze %dma_wait3A_591 : memref<1x128x32xf32, #tpu.memory_space<hbm>> -> memref<128x32xf32, #tpu.memory_space<hbm>>
      %dma_wait3A_593 = tpu.memref_slice %arg8[%dma_wait3A_584] : memref<8x!tpu.dma_semaphore, #tpu.memory_space<semaphore_mem>> -> memref<1x!tpu.dma_semaphore, #tpu.memory_space<semaphore_mem>>
      %dma_wait3A_594 = tpu.memref_squeeze %dma_wait3A_593 : memref<1x!tpu.dma_semaphore, #tpu.memory_space<semaphore_mem>> -> memref<!tpu.dma_semaphore, #tpu.memory_space<semaphore_mem>>
      %dma_wait3A_595 = arith.constant 0 : i32
      %dma_wait3A_596 = arith.constant 0 : i32
      %dma_wait3A_597 = tpu.memref_slice %arg4[%dma_wait3A_583, %dma_wait3A_595, %dma_wait3A_596] : memref<200x4096x32xf32, #tpu.memory_space<hbm>> -> memref<1x128x32xf32, #tpu.memory_space<hbm>>
      %dma_wait3A_598 = tpu.memref_squeeze %dma_wait3A_597 : memref<1x128x32xf32, #tpu.memory_space<hbm>> -> memref<128x32xf32, #tpu.memory_space<hbm>>
      %dma_wait3A_599 = arith.constant 0 : i32
      %dma_wait3A_600 = arith.constant 0 : i32
      %dma_wait3A_601 = tpu.memref_slice %arg6[%dma_wait3A_582, %dma_wait3A_599, %dma_wait3A_600] : memref<8x128x32xf32, #tpu.memory_space<vmem>> -> memref<1x128x32xf32, #tpu.memory_space<vmem>>
      %dma_wait3A_602 = tpu.memref_squeeze %dma_wait3A_601 : memref<1x128x32xf32, #tpu.memory_space<vmem>> -> memref<128x32xf32, #tpu.memory_space<vmem>>
      tpu.wait_dma2 semaphore(%dma_wait3A_594 : memref<!tpu.dma_semaphore, #tpu.memory_space<semaphore_mem>>) src(%dma_wait3A_602 : memref<128x32xf32, #tpu.memory_space<vmem>>) dst(%dma_wait3A_598 : memref<128x32xf32, #tpu.memory_space<hbm>>)
      %add3A_603 = arith.constant 1 : i32
      %add3A_604 = arith.addi %scan3A_133, %add3A_603 : i32
      %lt3A_605 = arith.constant 25 : i32
      %lt3A_606 = arith.cmpi slt, %add3A_604, %lt3A_605 : i32
      %convert_element_type3A_607 = arith.extui %lt3A_606 : i1 to i32
      %cond3A_608 = arith.constant 0 : i32
      %cond3A_609 = arith.cmpi ne, %convert_element_type3A_607, %cond3A_608 : i32
      scf.if %cond3A_609 {
        %add3A_666 = arith.constant 1 : i32
        %add3A_667 = arith.addi %scan3A_133, %add3A_666 : i32
        %dma_start3A_668 = arith.constant 5 : i32
        %dma_start3A_669 = arith.constant 5 : i32
        %dma_start3A_670 = arith.constant 5 : i32
        %dma_start3A_671 = arith.constant 0 : i32
        %dma_start3A_672 = arith.constant 0 : i32
        %dma_start3A_673 = tpu.memref_slice %arg6[%dma_start3A_669, %dma_start3A_671, %dma_start3A_672] : memref<8x128x32xf32, #tpu.memory_space<vmem>> -> memref<1x128x32xf32, #tpu.memory_space<vmem>>
        %dma_start3A_674 = tpu.memref_squeeze %dma_start3A_673 : memref<1x128x32xf32, #tpu.memory_space<vmem>> -> memref<128x32xf32, #tpu.memory_space<vmem>>
        %dma_start3A_675 = arith.constant 0 : i32
        %dma_start3A_676 = tpu.memref_slice %arg5[%add3A_667, %dma_start3A_668, %dma_start3A_675] : memref<25x8x128xi32, #tpu.memory_space<vmem>> -> memref<1x1x128xi32, #tpu.memory_space<vmem>>
        %dma_start3A_677 = tpu.memref_squeeze %dma_start3A_676 : memref<1x1x128xi32, #tpu.memory_space<vmem>> -> memref<128xi32, #tpu.memory_space<vmem>>
        %dma_start3A_678 = arith.constant 0 : i32
        %dma_start3A_679 = arith.constant 0 : i32
        %dma_start3A_680 = tpu.memref_slice %arg2[%dma_start3A_678, %dma_start3A_679] : memref<1000000x32xf32, #tpu.memory_space<hbm>> -> memref<1000000x32xf32, #tpu.memory_space<hbm>>
        %dma_start3A_681 = tpu.memref_slice %arg7[%dma_start3A_670] : memref<8x!tpu.dma_semaphore, #tpu.memory_space<semaphore_mem>> -> memref<1x!tpu.dma_semaphore, #tpu.memory_space<semaphore_mem>>
        %dma_start3A_682 = tpu.memref_squeeze %dma_start3A_681 : memref<1x!tpu.dma_semaphore, #tpu.memory_space<semaphore_mem>> -> memref<!tpu.dma_semaphore, #tpu.memory_space<semaphore_mem>>
        tpu.enqueue_indirect_dma source(%dma_start3A_680 : memref<1000000x32xf32, #tpu.memory_space<hbm>>) target(%dma_start3A_674 : memref<128x32xf32, #tpu.memory_space<vmem>>) offsets(%dma_start3A_677 : memref<128xi32, #tpu.memory_space<vmem>>) semaphore(%dma_start3A_682 : memref<!tpu.dma_semaphore, #tpu.memory_space<semaphore_mem>>)
      } else {
      }
      %dma_wait3A_610 = arith.constant 6 : i32
      %dma_wait3A_611 = arith.constant 0 : i32
      %dma_wait3A_612 = arith.constant 6 : i32
      %dma_wait3A_613 = arith.constant 0 : i32
      %dma_wait3A_614 = arith.constant 0 : i32
      %dma_wait3A_615 = tpu.memref_slice %arg6[%dma_wait3A_610, %dma_wait3A_613, %dma_wait3A_614] : memref<8x128x32xf32, #tpu.memory_space<vmem>> -> memref<1x128x32xf32, #tpu.memory_space<vmem>>
      %dma_wait3A_616 = tpu.memref_squeeze %dma_wait3A_615 : memref<1x128x32xf32, #tpu.memory_space<vmem>> -> memref<128x32xf32, #tpu.memory_space<vmem>>
      %dma_wait3A_617 = arith.constant 0 : i32
      %dma_wait3A_618 = arith.constant 0 : i32
      %dma_wait3A_619 = tpu.memref_slice %arg4[%dma_wait3A_611, %dma_wait3A_617, %dma_wait3A_618] : memref<200x4096x32xf32, #tpu.memory_space<hbm>> -> memref<1x128x32xf32, #tpu.memory_space<hbm>>
      %dma_wait3A_620 = tpu.memref_squeeze %dma_wait3A_619 : memref<1x128x32xf32, #tpu.memory_space<hbm>> -> memref<128x32xf32, #tpu.memory_space<hbm>>
      %dma_wait3A_621 = tpu.memref_slice %arg8[%dma_wait3A_612] : memref<8x!tpu.dma_semaphore, #tpu.memory_space<semaphore_mem>> -> memref<1x!tpu.dma_semaphore, #tpu.memory_space<semaphore_mem>>
      %dma_wait3A_622 = tpu.memref_squeeze %dma_wait3A_621 : memref<1x!tpu.dma_semaphore, #tpu.memory_space<semaphore_mem>> -> memref<!tpu.dma_semaphore, #tpu.memory_space<semaphore_mem>>
      %dma_wait3A_623 = arith.constant 0 : i32
      %dma_wait3A_624 = arith.constant 0 : i32
      %dma_wait3A_625 = tpu.memref_slice %arg4[%dma_wait3A_611, %dma_wait3A_623, %dma_wait3A_624] : memref<200x4096x32xf32, #tpu.memory_space<hbm>> -> memref<1x128x32xf32, #tpu.memory_space<hbm>>
      %dma_wait3A_626 = tpu.memref_squeeze %dma_wait3A_625 : memref<1x128x32xf32, #tpu.memory_space<hbm>> -> memref<128x32xf32, #tpu.memory_space<hbm>>
      %dma_wait3A_627 = arith.constant 0 : i32
      %dma_wait3A_628 = arith.constant 0 : i32
      %dma_wait3A_629 = tpu.memref_slice %arg6[%dma_wait3A_610, %dma_wait3A_627, %dma_wait3A_628] : memref<8x128x32xf32, #tpu.memory_space<vmem>> -> memref<1x128x32xf32, #tpu.memory_space<vmem>>
      %dma_wait3A_630 = tpu.memref_squeeze %dma_wait3A_629 : memref<1x128x32xf32, #tpu.memory_space<vmem>> -> memref<128x32xf32, #tpu.memory_space<vmem>>
      tpu.wait_dma2 semaphore(%dma_wait3A_622 : memref<!tpu.dma_semaphore, #tpu.memory_space<semaphore_mem>>) src(%dma_wait3A_630 : memref<128x32xf32, #tpu.memory_space<vmem>>) dst(%dma_wait3A_626 : memref<128x32xf32, #tpu.memory_space<hbm>>)
      %add3A_631 = arith.constant 1 : i32
      %add3A_632 = arith.addi %scan3A_133, %add3A_631 : i32
      %lt3A_633 = arith.constant 25 : i32
      %lt3A_634 = arith.cmpi slt, %add3A_632, %lt3A_633 : i32
      %convert_element_type3A_635 = arith.extui %lt3A_634 : i1 to i32
      %cond3A_636 = arith.constant 0 : i32
      %cond3A_637 = arith.cmpi ne, %convert_element_type3A_635, %cond3A_636 : i32
      scf.if %cond3A_637 {
        %add3A_666 = arith.constant 1 : i32
        %add3A_667 = arith.addi %scan3A_133, %add3A_666 : i32
        %dma_start3A_668 = arith.constant 6 : i32
        %dma_start3A_669 = arith.constant 6 : i32
        %dma_start3A_670 = arith.constant 6 : i32
        %dma_start3A_671 = arith.constant 0 : i32
        %dma_start3A_672 = arith.constant 0 : i32
        %dma_start3A_673 = tpu.memref_slice %arg6[%dma_start3A_669, %dma_start3A_671, %dma_start3A_672] : memref<8x128x32xf32, #tpu.memory_space<vmem>> -> memref<1x128x32xf32, #tpu.memory_space<vmem>>
        %dma_start3A_674 = tpu.memref_squeeze %dma_start3A_673 : memref<1x128x32xf32, #tpu.memory_space<vmem>> -> memref<128x32xf32, #tpu.memory_space<vmem>>
        %dma_start3A_675 = arith.constant 0 : i32
        %dma_start3A_676 = tpu.memref_slice %arg5[%add3A_667, %dma_start3A_668, %dma_start3A_675] : memref<25x8x128xi32, #tpu.memory_space<vmem>> -> memref<1x1x128xi32, #tpu.memory_space<vmem>>
        %dma_start3A_677 = tpu.memref_squeeze %dma_start3A_676 : memref<1x1x128xi32, #tpu.memory_space<vmem>> -> memref<128xi32, #tpu.memory_space<vmem>>
        %dma_start3A_678 = arith.constant 0 : i32
        %dma_start3A_679 = arith.constant 0 : i32
        %dma_start3A_680 = tpu.memref_slice %arg2[%dma_start3A_678, %dma_start3A_679] : memref<1000000x32xf32, #tpu.memory_space<hbm>> -> memref<1000000x32xf32, #tpu.memory_space<hbm>>
        %dma_start3A_681 = tpu.memref_slice %arg7[%dma_start3A_670] : memref<8x!tpu.dma_semaphore, #tpu.memory_space<semaphore_mem>> -> memref<1x!tpu.dma_semaphore, #tpu.memory_space<semaphore_mem>>
        %dma_start3A_682 = tpu.memref_squeeze %dma_start3A_681 : memref<1x!tpu.dma_semaphore, #tpu.memory_space<semaphore_mem>> -> memref<!tpu.dma_semaphore, #tpu.memory_space<semaphore_mem>>
        tpu.enqueue_indirect_dma source(%dma_start3A_680 : memref<1000000x32xf32, #tpu.memory_space<hbm>>) target(%dma_start3A_674 : memref<128x32xf32, #tpu.memory_space<vmem>>) offsets(%dma_start3A_677 : memref<128xi32, #tpu.memory_space<vmem>>) semaphore(%dma_start3A_682 : memref<!tpu.dma_semaphore, #tpu.memory_space<semaphore_mem>>)
      } else {
      }
      %dma_wait3A_638 = arith.constant 7 : i32
      %dma_wait3A_639 = arith.constant 0 : i32
      %dma_wait3A_640 = arith.constant 7 : i32
      %dma_wait3A_641 = arith.constant 0 : i32
      %dma_wait3A_642 = arith.constant 0 : i32
      %dma_wait3A_643 = tpu.memref_slice %arg6[%dma_wait3A_638, %dma_wait3A_641, %dma_wait3A_642] : memref<8x128x32xf32, #tpu.memory_space<vmem>> -> memref<1x128x32xf32, #tpu.memory_space<vmem>>
      %dma_wait3A_644 = tpu.memref_squeeze %dma_wait3A_643 : memref<1x128x32xf32, #tpu.memory_space<vmem>> -> memref<128x32xf32, #tpu.memory_space<vmem>>
      %dma_wait3A_645 = arith.constant 0 : i32
      %dma_wait3A_646 = arith.constant 0 : i32
      %dma_wait3A_647 = tpu.memref_slice %arg4[%dma_wait3A_639, %dma_wait3A_645, %dma_wait3A_646] : memref<200x4096x32xf32, #tpu.memory_space<hbm>> -> memref<1x128x32xf32, #tpu.memory_space<hbm>>
      %dma_wait3A_648 = tpu.memref_squeeze %dma_wait3A_647 : memref<1x128x32xf32, #tpu.memory_space<hbm>> -> memref<128x32xf32, #tpu.memory_space<hbm>>
      %dma_wait3A_649 = tpu.memref_slice %arg8[%dma_wait3A_640] : memref<8x!tpu.dma_semaphore, #tpu.memory_space<semaphore_mem>> -> memref<1x!tpu.dma_semaphore, #tpu.memory_space<semaphore_mem>>
      %dma_wait3A_650 = tpu.memref_squeeze %dma_wait3A_649 : memref<1x!tpu.dma_semaphore, #tpu.memory_space<semaphore_mem>> -> memref<!tpu.dma_semaphore, #tpu.memory_space<semaphore_mem>>
      %dma_wait3A_651 = arith.constant 0 : i32
      %dma_wait3A_652 = arith.constant 0 : i32
      %dma_wait3A_653 = tpu.memref_slice %arg4[%dma_wait3A_639, %dma_wait3A_651, %dma_wait3A_652] : memref<200x4096x32xf32, #tpu.memory_space<hbm>> -> memref<1x128x32xf32, #tpu.memory_space<hbm>>
      %dma_wait3A_654 = tpu.memref_squeeze %dma_wait3A_653 : memref<1x128x32xf32, #tpu.memory_space<hbm>> -> memref<128x32xf32, #tpu.memory_space<hbm>>
      %dma_wait3A_655 = arith.constant 0 : i32
      %dma_wait3A_656 = arith.constant 0 : i32
      %dma_wait3A_657 = tpu.memref_slice %arg6[%dma_wait3A_638, %dma_wait3A_655, %dma_wait3A_656] : memref<8x128x32xf32, #tpu.memory_space<vmem>> -> memref<1x128x32xf32, #tpu.memory_space<vmem>>
      %dma_wait3A_658 = tpu.memref_squeeze %dma_wait3A_657 : memref<1x128x32xf32, #tpu.memory_space<vmem>> -> memref<128x32xf32, #tpu.memory_space<vmem>>
      tpu.wait_dma2 semaphore(%dma_wait3A_650 : memref<!tpu.dma_semaphore, #tpu.memory_space<semaphore_mem>>) src(%dma_wait3A_658 : memref<128x32xf32, #tpu.memory_space<vmem>>) dst(%dma_wait3A_654 : memref<128x32xf32, #tpu.memory_space<hbm>>)
      %add3A_659 = arith.constant 1 : i32
      %add3A_660 = arith.addi %scan3A_133, %add3A_659 : i32
      %lt3A_661 = arith.constant 25 : i32
      %lt3A_662 = arith.cmpi slt, %add3A_660, %lt3A_661 : i32
      %convert_element_type3A_663 = arith.extui %lt3A_662 : i1 to i32
      %cond3A_664 = arith.constant 0 : i32
      %cond3A_665 = arith.cmpi ne, %convert_element_type3A_663, %cond3A_664 : i32
      scf.if %cond3A_665 {
        %add3A_666 = arith.constant 1 : i32
        %add3A_667 = arith.addi %scan3A_133, %add3A_666 : i32
        %dma_start3A_668 = arith.constant 7 : i32
        %dma_start3A_669 = arith.constant 7 : i32
        %dma_start3A_670 = arith.constant 7 : i32
        %dma_start3A_671 = arith.constant 0 : i32
        %dma_start3A_672 = arith.constant 0 : i32
        %dma_start3A_673 = tpu.memref_slice %arg6[%dma_start3A_669, %dma_start3A_671, %dma_start3A_672] : memref<8x128x32xf32, #tpu.memory_space<vmem>> -> memref<1x128x32xf32, #tpu.memory_space<vmem>>
        %dma_start3A_674 = tpu.memref_squeeze %dma_start3A_673 : memref<1x128x32xf32, #tpu.memory_space<vmem>> -> memref<128x32xf32, #tpu.memory_space<vmem>>
        %dma_start3A_675 = arith.constant 0 : i32
        %dma_start3A_676 = tpu.memref_slice %arg5[%add3A_667, %dma_start3A_668, %dma_start3A_675] : memref<25x8x128xi32, #tpu.memory_space<vmem>> -> memref<1x1x128xi32, #tpu.memory_space<vmem>>
        %dma_start3A_677 = tpu.memref_squeeze %dma_start3A_676 : memref<1x1x128xi32, #tpu.memory_space<vmem>> -> memref<128xi32, #tpu.memory_space<vmem>>
        %dma_start3A_678 = arith.constant 0 : i32
        %dma_start3A_679 = arith.constant 0 : i32
        %dma_start3A_680 = tpu.memref_slice %arg2[%dma_start3A_678, %dma_start3A_679] : memref<1000000x32xf32, #tpu.memory_space<hbm>> -> memref<1000000x32xf32, #tpu.memory_space<hbm>>
        %dma_start3A_681 = tpu.memref_slice %arg7[%dma_start3A_670] : memref<8x!tpu.dma_semaphore, #tpu.memory_space<semaphore_mem>> -> memref<1x!tpu.dma_semaphore, #tpu.memory_space<semaphore_mem>>
        %dma_start3A_682 = tpu.memref_squeeze %dma_start3A_681 : memref<1x!tpu.dma_semaphore, #tpu.memory_space<semaphore_mem>> -> memref<!tpu.dma_semaphore, #tpu.memory_space<semaphore_mem>>
        tpu.enqueue_indirect_dma source(%dma_start3A_680 : memref<1000000x32xf32, #tpu.memory_space<hbm>>) target(%dma_start3A_674 : memref<128x32xf32, #tpu.memory_space<vmem>>) offsets(%dma_start3A_677 : memref<128xi32, #tpu.memory_space<vmem>>) semaphore(%dma_start3A_682 : memref<!tpu.dma_semaphore, #tpu.memory_space<semaphore_mem>>)
      } else {
      }
    }
    %scan3A_132 = arith.constant 25 : i32
    return
  }
}

</mosaic_0001>

<sc_bundles>
// kernel: _gather.3.cloned.1.call-start
scs
__scs_entry_jumppad:
0x0: {  	(pc) =	sbr.rel $0x88, $3  }
0x1: {  	(tag) =	ssettag $0x0;
	lr =	simm.s32 $0x1  }
0x2: {  	[smem:$0x3F9F] =	sst lr;
	_ =	strace $0xD0000000  }
0x3: {  	_ = 	snop  }
0x4: {  	_ = 	snop  }
0x5: {  	_ = 	snop  }
0x6: {  	_ = 	snop  }
0x7: {  	_ = 	snop  }
__scs_overlays_trampoline_lowered:
0x8: {  	[smem:$0x3FAE] =	sst s0  }
0x9: {  	[smem:$0x3FAF] =	sst s1  }
0xa: {  	[smem:$0x3FB0] =	sst s2  }
0xb: {  	[smem:$0x3FB1] =	sst s3  }
0xc: {  	[smem:$0x3FB2] =	sst s4  }
0xd: {  	[smem:$0x3FB3] =	sst s5  }
0xe: {  	[smem:$0x3FB4] =	sst s6  }
0xf: {  	[smem:$0x3FB5] =	sst s7  }
0x10: {  	[smem:$0x3FB6] =	sst s8  }
0x11: {  	[smem:$0x3FB7] =	sst s9;
	s0 =	simm.s32 @!p0 $0x0  }
0x12: {  	s1 =	sld [smem:$0x3F9D];
	s0 =	simm.s32 @p0 $0x1  }
0x13: {  	[smem:$0x3FB8] =	sst s0;
	s0 =	simm.s32 @!p1 $0x0  }
0x14: {  	s2 =	sld [smem:$0x3F9C];
	s0 =	simm.s32 @p1 $0x1  }
0x15: {  	[smem:$0x3FB9] =	sst s0;
	s0 =	simm.s32 @!p2 $0x0  }
0x16: {  	s3 =	sld [smem:$0x3FDB];
	s0 =	simm.s32 @p2 $0x1  }
0x17: {  	s4 =	simm.s32 $0x1BF5;
	[smem:$0x3FBB] =	sst s0  }
0x18: {  	s0 =	sld [smem:$0x3F9E];
	_ =	swait.ge [sflag:s4], $0x0  }
0x19: {  	s7 =	sld [smem:$0x3F9F]  }
0x1a: {  	s8 =	sadd.s32 $0xFFFFE003, lr  }
0x1b: {  	s9 =	sadd.s32 $0xFFFFFEF7, lr;
	s5 =	simm.s32 $0xFFFFFFFF;
	p2 =	slt.u32 s8, $0xFFFFF086  }
0x1c: {  	p1 =	slt.u32 s9, $0xF7A;
	s5 =	simm.s32 @!p2 $0x0  }
0x1d: {  	s5 =	simm.s32 @p1 $0x1;
	p0 =	seq.s32 s7, s2  }
0x1e: {  	s7 =	smul.u32 @!p0 $0xF7A, s2;
	p2 =	seq.s32 @!p0 s5, $0x0  }
0x1f: {  	s9 =	smul.u32 $0xF7A, s1;
	s8 =	simm.s32 @!p0 $0x1BF5;
	p2 =	por !p2, p0  }
0x20: {  	[sflag:s8] =	ssyncset.s32 @!p0 $0xFFFFF086;
	s6 =	sadd.s32 @!p0 s3, s7;
	s7 =	simm.s32 @!p0 $0x108  }
0x21: {  	s3 =	sadd.s32 s3, s9;
	s6 =	sadd.s32 @!p0 $0x88, s6;
	s7 =	simm.s32 @p2 $0x1082  }
0x22: {  	[simem:s7], [sflag:s8] =	dma.local @!p0 [hbm:s6], $0xF7A  }
0x23: {  	s9 =	sor.u32 $0xD0000000, s2;
	s6 =	simm.s32 $0x108;
	_ =	swait.ge @!p0 [sflag:s8], $0x0  }
0x24: {  	s3 =	sadd.s32 $0x88, s3;
	s6 =	simm.s32 @!p1 $0x1082;
	[sflag:s4] =	ssyncset.s32 $0xFFFFF086  }
0x25: {  	[simem:s6], [sflag:s4] =	dma.local [hbm:s3], $0xF7A  }
0x26: {  	[smem:$0x3F9F] =	sst s1;
	(tag) =	ssettag s2;
	_ =	strace s9  }
0x27: {  	s1 =	sld [smem:$0x3FAF]  }
0x28: {  	s2 =	sld [smem:$0x3FB0]  }
0x29: {  	s4 =	sld [smem:$0x3FB2]  }
0x2a: {  	p0 =	seq.s32 s5, $0x0;
	s5 =	sld [smem:$0x3FB3]  }
0x2b: {  	s6 =	sld [smem:$0x3FB4]  }
0x2c: {  	s7 =	sld [smem:$0x3FB5]  }
0x2d: {  	s3 =	simm.s32 $0x108;
	s8 =	sld [smem:$0x3FB6]  }
0x2e: {  	s3 =	simm.s32 @!p0 $0x1082;
	s9 =	sld [smem:$0x3FB7]  }
0x2f: {  	lr =	sadd.s32 s0, s3;
	s0 =	sld [smem:$0x3FAE]  }
0x30: {  	s3 =	sld [smem:$0x3FB1]  }
0x31: {  	[smem:$0x3FBA] =	sst s10  }
0x32: {  	s10 =	sld [smem:$0x3FB8];
	_ =	sdelay $0x3  }
0x33: {  	p0 =	seq.s32 s10, $0x1;
	s10 =	sld [smem:$0x3FBA];
	_ =	sdelay $0x3  }
0x34: {  	[smem:$0x3FBA] =	sst s10  }
0x35: {  	s10 =	sld [smem:$0x3FB9];
	_ =	sdelay $0x3  }
0x36: {  	p1 =	seq.s32 s10, $0x1;
	s10 =	sld [smem:$0x3FBA];
	_ =	sdelay $0x3  }
0x37: {  	[smem:$0x3FBA] =	sst s10  }
0x38: {  	s10 =	sld [smem:$0x3FBB]  }
0x39: {  	_ = 	snop;
	(pc) =	sbr.ind lr, $3  }
0x3a: {  	_ = 	snop  }
0x3b: {  	_ = 	snop  }
0x3c: {  	p2 =	seq.s32 s10, $0x1;
	s10 =	sld [smem:$0x3FBA]  }
0x3d: {  	_ =	shalt  }
0x3e: {  	_ =	shalt  }
0x3f: {  	_ =	shalt  }
0x40: {  	_ =	shalt  }
0x41: {  	_ =	shalt  }
0x42: {  	_ =	shalt  }
0x43: {  	_ =	shalt  }
0x44: {  	_ =	shalt  }
0x45: {  	_ =	shalt  }
0x46: {  	_ =	shalt  }
0x47: {  	_ =	shalt  }
0x48: {  	_ =	shalt  }
0x49: {  	_ =	shalt  }
0x4a: {  	_ =	shalt  }
0x4b: {  	_ =	shalt  }
0x4c: {  	_ =	shalt  }
0x4d: {  	_ =	shalt  }
0x4e: {  	_ =	shalt  }
0x4f: {  	_ =	shalt  }
0x50: {  	_ =	shalt  }
0x51: {  	_ =	shalt  }
0x52: {  	_ =	shalt  }
0x53: {  	_ =	shalt  }
0x54: {  	_ =	shalt  }
0x55: {  	_ =	shalt  }
0x56: {  	_ =	shalt  }
0x57: {  	_ =	shalt  }
0x58: {  	_ =	shalt  }
0x59: {  	_ =	shalt  }
0x5a: {  	_ =	shalt  }
0x5b: {  	_ =	shalt  }
0x5c: {  	_ =	shalt  }
0x5d: {  	_ =	shalt  }
0x5e: {  	_ =	shalt  }
0x5f: {  	_ =	shalt  }
0x60: {  	_ =	shalt  }
0x61: {  	_ =	shalt  }
0x62: {  	_ =	shalt  }
0x63: {  	_ =	shalt  }
0x64: {  	_ =	shalt  }
0x65: {  	_ =	shalt  }
0x66: {  	_ =	shalt  }
0x67: {  	_ =	shalt  }
0x68: {  	_ =	shalt  }
0x69: {  	_ =	shalt  }
0x6a: {  	_ =	shalt  }
0x6b: {  	_ =	shalt  }
0x6c: {  	_ =	shalt  }
0x6d: {  	_ =	shalt  }
0x6e: {  	_ =	shalt  }
0x6f: {  	_ =	shalt  }
0x70: {  	_ =	shalt  }
0x71: {  	_ =	shalt  }
0x72: {  	_ =	shalt  }
0x73: {  	_ =	shalt  }
0x74: {  	_ =	shalt  }
0x75: {  	_ =	shalt  }
0x76: {  	_ =	shalt  }
0x77: {  	_ =	shalt  }
0x78: {  	_ =	shalt  }
0x79: {  	_ =	shalt  }
0x7a: {  	_ =	shalt  }
0x7b: {  	_ =	shalt  }
0x7c: {  	_ =	shalt  }
0x7d: {  	_ =	shalt  }
0x7e: {  	_ =	shalt  }
0x7f: {  	_ =	shalt  }
0x80: {  	_ =	shalt  }
0x81: {  	_ =	shalt  }
0x82: {  	_ =	shalt  }
0x83: {  	_ =	shalt  }
0x84: {  	_ =	shalt  }
0x85: {  	_ =	shalt  }
0x86: {  	_ =	shalt  }
0x87: {  	_ =	shalt  }
.Lfunc_end0:
.L_simem_size_0:
called_computation.1_lowered:
.L_overlay_start_0:
0x88: {  	s2 =	sld [smem:$0x3FD9]  }
0x89: {  	s3 =	sld [smem:$0x3FFE];
	_ =	sdelay $0x1  }
0x8a: {  	s1 =	srdreg.scid  }
0x8b: {  	s0 =	sand.u32 $0x1, s1  }
0x8c: {  	s17 =	sshll.u32 s0, $0xA;
	s2 =	sadd.s32 s3, s2  }
0x8d: {  	s2 =	sadd.s32 s2, s17  }
0x8e: {  	[smem:$0x3FC6] =	sst s2  }
0x8f: {  	_ = 	snop  }
0x90: {  	s2 =	sld [smem:$0x3FC8]  }
0x91: {  	s18 =	sld [smem:$0x3FD0];
	(tm) =	ssettm $0x1  }
0x92: {  	s4 =	sld [smem:$0x3FFB];
	_ =	sdelay $0x3  }
0x93: {  	_ =	strace s4  }
0x94: {  	s4 =	sld [smem:$0x3FFC];
	_ =	sdelay $0x3  }
0x95: {  	_ =	strace s4  }
0x96: {  	s4 =	sld [smem:$0x3FFD];
	_ =	sdelay $0x3  }
0x97: {  	_ =	strace s4  }
0x98: {  	_ =	strace $0x8FFFFFFF  }
0x99: {  	s19 =	sld [smem:$0x3FDB];
	_ =	sdelay $0x1  }
0x9a: {  	s5 =	simm.s32 $_scs_section_size  }
0x9b: {  	s6 =	simm.s32 $_size__tile_overlayer_lowered;
	s7 =	simm.s32 $_tile_overlayer_lowered  }
0x9c: {  	s22 =	simm.s32 $0x1BFF;
	s21 =	sshll.u32 s7, $0x1;
	s4 =	sadd.s32 s5, s19  }
0x9d: {  	s8 =	simm.s32 $0x0;
	s20 =	sshll.u32 s6, $0x1;
	s6 =	sadd.s32 s21, s4  }
0x9e: {  	[timem:s8], [sflag:s22] =	dma.local [hbm:s6], s20  }
0x9f: {  	_ =	swait.ge [sflag:s22], s20  }
0xa0: {  	s5 =	ssub.s32 $0x0, s20;
	[sflag:s22] =	ssyncset.done $0x0  }
0xa1: {  	[sflag:s22] =	ssyncadd.s32 s5;
	_ =	sdelay $0x1  }
0xa2: {  	s23 =	simm.s32 $0x1B8B  }
0xa3: {  	_ =	swait.ge [sflag:s23], $0x1  }
0xa4: {  	[sflag:s23] =	ssyncset.done $0x0  }
0xa5: {  	s25 =	simm.s32 $0x1B8E;
	s24 =	sld [smem:$0x3FFE];
	[sflag:s23] =	ssyncadd.s32 $0xFFFFFFFF  }
0xa6: {  	s26 =	simm.s32 $execute0_lowered;
	[smem:$0x3FD2] =	sst s25  }
0xa7: {  	s6 =	sshll.u32 s26, $0x1;
	_ =	strace $0x80000046;
	[dreg:$0x1] =	wrdreg $0xFFFFFFFF  }
0xa8: {  	s28 =	simm.s32 $_size_execute0_lowered;
	s4 =	sadd.s32 s4, s6;
	[dreg:$0x0] =	wrdreg $0x0  }
0xa9: {  	s6 =	sshll.u32 s28, $0x1;
	[dreg:$0x2] =	wrdreg s4  }
0xaa: {  	[dreg:$0x3] =	wrdreg s6  }
0xab: {  	[dreg:$0x4] =	wrdreg $0xC0  }
0xac: {  	_ =	task [dreg:s8], $0x5FFFF  }
0xad: {  	[dreg:$0x1] =	wrdreg $0xFFFFFFFF  }
0xae: {  	[dreg:$0x0] =	wrdreg $0x60  }
0xaf: {  	[dreg:$0x2] =	wrdreg s24  }
0xb0: {  	[dreg:$0x3] =	wrdreg s2  }
0xb1: {  	[dreg:$0x4] =	wrdreg s18  }
0xb2: {  	[dreg:$0x5] =	wrdreg $0x9  }
0xb3: {  	_ =	task.clear_ibuf [dreg:s8], $0x6FFFF;
	_ =	strace $0x90000046  }
0xb4: {  	s29 =	simm.s32 $0x9;
	_ =	strace $0x80000048  }
0xb5: {  	_ =	swait.ge [sflag:s29], $0x1  }
0xb6: {  	[sflag:s29] =	ssyncadd.s32 $0xFFFFFFFF  }
0xb7: {  	_ =	strace $0x90000048  }
0xb8: {  	_ =	sfence  }
0xb9: {  	s30 =	sld [smem:$0x0];
	_ =	sdelay $0x2  }
0xba: {  	s31 =	sshll.u32 s1, $0xD;
	s1 =	sshrl.u32 s1, $0x2  }
0xbb: {  	s3 =	sand.u32 $0x4000, s31;
	s1 =	sadd.s32 s1, s30  }
0xbc: {  	s0 =	sor.u32 s3, s0;
	s1 =	sshll.u32 s1, $0x11  }
0xbd: {  	s0 =	sor.u32 s1, s0  }
0xbe: {  	s0 =	sadd.s32 $0x8F2B, s0  }
0xbf: {  	[sflag:s0] =	ssyncadd.remote.s32 $0x1  }
0xc0: {  	_ =	sfence.sel $0xFFFF  }
0xc1: {  	[dreg:$0x0] =	wrdreg $0xFFFFFFFF;
	(pc) =	sbr.abs _section_cstart, $3  }
0xc2: {  	[dreg:$0x1] =	wrdreg $0xFFFFFFFF  }
0xc3: {  	_ =	task.clear_ibuf [dreg:s8], $0x2FFFF;
	_ =	strace $0x9FFFFFFF  }
0xc4: {  	(tm) =	ssettm $0x7FFFFFFF  }
0xc5: {  	_ =	shalt  }
tec
execute0_lowered:
.L_overlay_start_1:
0x0: {  	(tag) =	ssettag $0x1  }
0x1: {  	s0 =	rddreg [dreg:$0x0]  }
0x2: {  	s1 =	rddreg [dreg:$0x1]  }
0x3: {  	s4 =	rddreg [dreg:$0x2];
	s2 =	simm.s32 $0x0  }
0x4: {  	s3 =	srdreg.scid;
	s9 =	stileid.u32;
	s10 =	simm.s32 $0x80  }
0x5: {  	s11 =	simm.s32 $0x6400;
	s12 =	simm.s32 $0x7400;
	s14 =	simm.s32 $0x8400  }
0x6: {  	s16 =	simm.s32 $0x9400;
	s18 =	simm.s32 $0xA400;
	s20 =	simm.s32 $0xB400  }
0x7: {  	s22 =	simm.s32 $0xC400;
	s28 =	simm.s32 $0x3;
	s29 =	simm.s32 $0x4  }
0x8: {  	s30 =	simm.s32 $0x5;
	s31 =	simm.s32 $0x6;
	s13 =	simm.s32 $0xB  }
0x9: {  	s15 =	simm.s32 $0xC;
	s17 =	simm.s32 $0xD;
	s19 =	simm.s32 $0xE  }
0xa: {  	s21 =	simm.s32 $0xF;
	[smem:$0x7FF] =	sst s2;
	s5 =	sand.u32 $0x1, s3  }
0xb: {  	s7 =	sshll.u32 s9, $0x8;
	s3 =	sadd.s32 $0xF42C00, s0;
	s24 =	sshll.u32 s9, $0xA  }
0xc: {  	_ =	strace $0x80000047;
	s6 =	ssub.s32 $0x2, s5;
	s8 =	sshll.u32 s5, $0x7  }
0xd: {  	s25 =	sadd.s32 s24, s4;
	s26 =	sshll.u32 s5, $0x9;
	s24 =	simm.s32 $0xD400  }
0xe: {  	s5 =	simm.s32 $0x0;
	s23 =	sshrl.u32 s6, $0x1;
	s7 =	sor.u32 s8, s7  }
.Ltmp0:
0xf: {  	s8 =	simm.s32 $0xA;
	s0 =	ssub.s32 s6, s23;
	(pc) =	sbr.rel .LBB2_1-.Ltmp0, $4  }
0x10: {  	s1 =	sadd.s32 s1, s7;
	s7 =	simm.s32 $0x9;
	s23 =	simm.s32 $0x10  }
0x11: {  	[dreg:$0x4] =	wrdreg s1;
	s0 =	smax.u32 s0, $0x1;
	s1 =	simm.s32 $0x8  }
0x12: {  	[dreg:$0x5] =	wrdreg s0;
	s0 =	sadd.s32 s26, s25;
	s25 =	simm.s32 $0x1  }
0x13: {  	s26 =	simm.s32 $0x2;
	[dreg:$0x6] =	wrdreg s0;
	s0 =	simm.s32 $0x7  }
.LBB2_3:
0x14: {  	_ =	swait.ge [sflag:s8], $0x1000  }
0x15: {  	[sflag:s8] =	ssyncset.done $0x0  }
0x16: {  	[sflag:s8] =	ssyncadd.s32 $0xFFFFF000  }
0x17: {  	_ =	swait.ge [sflag:s13], $0x1000  }
0x18: {  	[sflag:s13] =	ssyncset.done $0x0  }
0x19: {  	[sflag:s13] =	ssyncadd.s32 $0xFFFFF000  }
0x1a: {  	_ =	swait.ge [sflag:s15], $0x1000  }
0x1b: {  	[sflag:s15] =	ssyncset.done $0x0  }
0x1c: {  	[sflag:s15] =	ssyncadd.s32 $0xFFFFF000  }
0x1d: {  	_ =	swait.ge [sflag:s17], $0x1000  }
0x1e: {  	[sflag:s17] =	ssyncset.done $0x0  }
0x1f: {  	[sflag:s17] =	ssyncadd.s32 $0xFFFFF000  }
0x20: {  	_ =	swait.ge [sflag:s19], $0x1000  }
0x21: {  	[sflag:s19] =	ssyncset.done $0x0  }
0x22: {  	[sflag:s19] =	ssyncadd.s32 $0xFFFFF000  }
0x23: {  	_ =	swait.ge [sflag:s21], $0x1000  }
0x24: {  	[sflag:s21] =	ssyncset.done $0x0  }
0x25: {  	[sflag:s21] =	ssyncadd.s32 $0xFFFFF000  }
0x26: {  	_ =	swait.ge [sflag:s23], $0x1000  }
0x27: {  	[sflag:s23] =	ssyncset.done $0x0  }
0x28: {  	[sflag:s23] =	ssyncadd.s32 $0xFFFFF000  }
.LBB2_5:
0x29: {  	s5 =	rddreg [dreg:$0x7]  }
0x2a: {  	s4 =	rddreg [dreg:$0x5];
	s5 =	sadd.s32 $0x1, s5  }
0x2b: {  	p0 =	sne.s32 s5, s4  }
.Ltmp1:
0x2c: {  	_ = 	snop;
	(pc) =	sbr.rel @!p0 .LBB2_6-.Ltmp1, $1  }
0x2d: {  	_ =	sdelay $0x3  }
.LBB2_1:
0x2e: {  	s4 =	rddreg [dreg:$0x4];
	s9 =	simm.s32 $0x400;
	s6 =	simm.s32 $0x8000  }
0x2f: {  	[tilespmem:s2], [sflag:$0x11] =	stream.strided.gather [hbm4b:s4+s9], $0x6400, s6, s9, $0x38;
	[tilespmem:$0xE400] =	vst v63  }
0x30: {  	[dreg:$0x7] =	wrdreg s5;
	s9 =	simm.s32 $0x11  }
0x31: {  	_ =	swait.ge [sflag:s9], $0x6400  }
0x32: {  	[sflag:s9] =	ssyncset.done $0x0  }
0x33: {  	[sflag:s9] =	ssyncadd.s32 $0xFFFF9C00  }
0x34: {  	[tilespmem:s11], [sflag:$0x1] =	stream.indirect.gather [hbm4b:s3+s10], $0x20, s2, s10, $0xb8;
	[tilespmem:$0xE400] =	vst v63  }
0x35: {  	_ = 	snop  }
0x36: {  	[tilespmem:s12], [sflag:$0x2] =	stream.indirect.gather [hbm4b:s3+s10], $0x20, s10, s10, $0xb8;
	[tilespmem:$0xE400] =	vst v63  }
0x37: {  	s5 =	simm.s32 $0x100  }
0x38: {  	[tilespmem:s14], [sflag:$0x3] =	stream.indirect.gather [hbm4b:s3+s10], $0x20, s5, s10, $0xb8;
	[tilespmem:$0xE400] =	vst v63  }
0x39: {  	s6 =	simm.s32 $0x180  }
0x3a: {  	[tilespmem:s16], [sflag:$0x4] =	stream.indirect.gather [hbm4b:s3+s10], $0x20, s6, s10, $0xb8;
	[tilespmem:$0xE400] =	vst v63  }
0x3b: {  	s9 =	simm.s32 $0x200  }
0x3c: {  	[tilespmem:s18], [sflag:$0x5] =	stream.indirect.gather [hbm4b:s3+s10], $0x20, s9, s10, $0xb8;
	[tilespmem:$0xE400] =	vst v63  }
0x3d: {  	s5 =	simm.s32 $0x280  }
0x3e: {  	[tilespmem:s20], [sflag:$0x6] =	stream.indirect.gather [hbm4b:s3+s10], $0x20, s5, s10, $0xb8;
	[tilespmem:$0xE400] =	vst v63  }
0x3f: {  	s6 =	simm.s32 $0x300  }
0x40: {  	[tilespmem:s22], [sflag:$0x7] =	stream.indirect.gather [hbm4b:s3+s10], $0x20, s6, s10, $0xb8;
	[tilespmem:$0xE400] =	vst v63  }
0x41: {  	s9 =	simm.s32 $0x380;
	s5 =	simm.s32 $0x0;
	s6 =	rddreg [dreg:$0x6]  }
0x42: {  	[tilespmem:s24], [sflag:$0x8] =	stream.indirect.gather [hbm4b:s3+s10], $0x20, s9, s10, $0xb8;
	[tilespmem:$0xE400] =	vst v63  }
.LBB2_2:
0x43: {  	_ =	swait.ge [sflag:s25], $0x1000  }
0x44: {  	[sflag:s25] =	ssyncset.done $0x0  }
0x45: {  	[sflag:s25] =	ssyncadd.s32 $0xFFFFF000  }
0x46: {  	[hbm4b:s6+s2] =	stream.linear.scatter [tilespmem:s11], [sflag:$0x9], $0x1000, $0x38;
	[tilespmem:$0xE400] =	vst v63  }
0x47: {  	_ =	swait.ge [sflag:s26], $0x1000  }
0x48: {  	[sflag:s26] =	ssyncset.done $0x0  }
0x49: {  	s9 =	sadd.s32 $0x4000, s6;
	[sflag:s26] =	ssyncadd.s32 $0xFFFFF000  }
0x4a: {  	[hbm4b:s9+s2] =	stream.linear.scatter [tilespmem:s12], [sflag:$0xA], $0x1000, $0x38;
	[tilespmem:$0xE400] =	vst v63  }
0x4b: {  	_ =	swait.ge [sflag:s28], $0x1000  }
0x4c: {  	[sflag:s28] =	ssyncset.done $0x0  }
0x4d: {  	s4 =	sadd.s32 $0x8000, s6;
	[sflag:s28] =	ssyncadd.s32 $0xFFFFF000  }
0x4e: {  	[hbm4b:s4+s2] =	stream.linear.scatter [tilespmem:s14], [sflag:$0xB], $0x1000, $0x38;
	[tilespmem:$0xE400] =	vst v63  }
0x4f: {  	_ =	swait.ge [sflag:s29], $0x1000  }
0x50: {  	[sflag:s29] =	ssyncset.done $0x0  }
0x51: {  	s4 =	sadd.s32 $0xC000, s6;
	[sflag:s29] =	ssyncadd.s32 $0xFFFFF000  }
0x52: {  	[hbm4b:s4+s2] =	stream.linear.scatter [tilespmem:s16], [sflag:$0xC], $0x1000, $0x38;
	[tilespmem:$0xE400] =	vst v63  }
0x53: {  	_ =	swait.ge [sflag:s30], $0x1000  }
0x54: {  	[sflag:s30] =	ssyncset.done $0x0  }
0x55: {  	s4 =	sadd.s32 $0x10000, s6;
	[sflag:s30] =	ssyncadd.s32 $0xFFFFF000  }
0x56: {  	[hbm4b:s4+s2] =	stream.linear.scatter [tilespmem:s18], [sflag:$0xD], $0x1000, $0x38;
	[tilespmem:$0xE400] =	vst v63  }
0x57: {  	_ =	swait.ge [sflag:s31], $0x1000  }
0x58: {  	[sflag:s31] =	ssyncset.done $0x0  }
0x59: {  	s4 =	sadd.s32 $0x14000, s6;
	[sflag:s31] =	ssyncadd.s32 $0xFFFFF000  }
0x5a: {  	[hbm4b:s4+s2] =	stream.linear.scatter [tilespmem:s20], [sflag:$0xE], $0x1000, $0x38;
	[tilespmem:$0xE400] =	vst v63  }
0x5b: {  	_ =	swait.ge [sflag:s0], $0x1000  }
0x5c: {  	[sflag:s0] =	ssyncset.done $0x0  }
0x5d: {  	s4 =	sadd.s32 $0x18000, s6;
	[sflag:s0] =	ssyncadd.s32 $0xFFFFF000  }
0x5e: {  	[hbm4b:s4+s2] =	stream.linear.scatter [tilespmem:s22], [sflag:$0xF], $0x1000, $0x38;
	[tilespmem:$0xE400] =	vst v63  }
0x5f: {  	_ =	swait.ge [sflag:s1], $0x1000  }
0x60: {  	p0 =	sne.s32 s5, $0x18000;
	[sflag:s1] =	ssyncset.done $0x0  }
.Ltmp2:
0x61: {  	s4 =	sadd.s32 $0x1C000, s6;
	[sflag:s1] =	ssyncadd.s32 $0xFFFFF000;
	(pc) =	sbr.rel @!p0 .LBB2_3-.Ltmp2, $4  }
0x62: {  	[hbm4b:s4+s2] =	stream.linear.scatter [tilespmem:s24], [sflag:$0x10], $0x1000, $0x38;
	[tilespmem:$0xE400] =	vst v63  }
0x63: {  	_ =	swait.ge [sflag:s7], $0x1000  }
0x64: {  	[sflag:s7] =	ssyncset.done $0x0  }
0x65: {  	[sflag:s7] =	ssyncadd.s32 $0xFFFFF000  }
0x66: {  	s9 =	sshra.s32 s5, $0x2  }
0x67: {  	s4 =	sadd.s32 $0x400, s9  }
0x68: {  	[tilespmem:s11], [sflag:$0x1] =	stream.indirect.gather [hbm4b:s3+s10], $0x20, s4, s10, $0xb8;
	[tilespmem:$0xE400] =	vst v63  }
0x69: {  	_ =	swait.ge [sflag:s8], $0x1000  }
0x6a: {  	[sflag:s8] =	ssyncset.done $0x0  }
0x6b: {  	s4 =	sadd.s32 $0x480, s9;
	[sflag:s8] =	ssyncadd.s32 $0xFFFFF000  }
0x6c: {  	[tilespmem:s12], [sflag:$0x2] =	stream.indirect.gather [hbm4b:s3+s10], $0x20, s4, s10, $0xb8;
	[tilespmem:$0xE400] =	vst v63  }
0x6d: {  	_ =	swait.ge [sflag:s13], $0x1000  }
0x6e: {  	[sflag:s13] =	ssyncset.done $0x0  }
0x6f: {  	s4 =	sadd.s32 $0x500, s9;
	[sflag:s13] =	ssyncadd.s32 $0xFFFFF000  }
0x70: {  	[tilespmem:s14], [sflag:$0x3] =	stream.indirect.gather [hbm4b:s3+s10], $0x20, s4, s10, $0xb8;
	[tilespmem:$0xE400] =	vst v63  }
0x71: {  	_ =	swait.ge [sflag:s15], $0x1000  }
0x72: {  	[sflag:s15] =	ssyncset.done $0x0  }
0x73: {  	s4 =	sadd.s32 $0x580, s9;
	[sflag:s15] =	ssyncadd.s32 $0xFFFFF000  }
0x74: {  	[tilespmem:s16], [sflag:$0x4] =	stream.indirect.gather [hbm4b:s3+s10], $0x20, s4, s10, $0xb8;
	[tilespmem:$0xE400] =	vst v63  }
0x75: {  	_ =	swait.ge [sflag:s17], $0x1000  }
0x76: {  	[sflag:s17] =	ssyncset.done $0x0  }
0x77: {  	s4 =	sadd.s32 $0x600, s9;
	[sflag:s17] =	ssyncadd.s32 $0xFFFFF000  }
0x78: {  	[tilespmem:s18], [sflag:$0x5] =	stream.indirect.gather [hbm4b:s3+s10], $0x20, s4, s10, $0xb8;
	[tilespmem:$0xE400] =	vst v63  }
0x79: {  	_ =	swait.ge [sflag:s19], $0x1000  }
0x7a: {  	[sflag:s19] =	ssyncset.done $0x0  }
0x7b: {  	s4 =	sadd.s32 $0x680, s9;
	[sflag:s19] =	ssyncadd.s32 $0xFFFFF000  }
0x7c: {  	[tilespmem:s20], [sflag:$0x6] =	stream.indirect.gather [hbm4b:s3+s10], $0x20, s4, s10, $0xb8;
	[tilespmem:$0xE400] =	vst v63  }
0x7d: {  	_ =	swait.ge [sflag:s21], $0x1000  }
0x7e: {  	s5 =	sadd.s32 $0x1000, s5;
	[sflag:s21] =	ssyncset.done $0x0  }
0x7f: {  	p0 =	sne.s32 s5, $0x19000;
	s4 =	sadd.s32 $0x700, s9;
	[sflag:s21] =	ssyncadd.s32 $0xFFFFF000  }
0x80: {  	[tilespmem:s22], [sflag:$0x7] =	stream.indirect.gather [hbm4b:s3+s10], $0x20, s4, s10, $0xb8;
	[tilespmem:$0xE400] =	vst v63  }
.Ltmp3:
0x81: {  	_ = 	snop;
	(pc) =	sbr.rel @p0 .LBB2_2-.Ltmp3, $4  }
.Ltmp4:
0x82: {  	_ =	swait.ge [sflag:s23], $0x1000;
	(pc) =	sbr.rel @!p0 .LBB2_5-.Ltmp4, $4  }
0x83: {  	[sflag:s23] =	ssyncset.done $0x0  }
0x84: {  	s6 =	sadd.s32 $0x20000, s6;
	s9 =	sadd.s32 $0x780, s9;
	[sflag:s23] =	ssyncadd.s32 $0xFFFFF000  }
0x85: {  	[tilespmem:s24], [sflag:$0x8] =	stream.indirect.gather [hbm4b:s3+s10], $0x20, s9, s10, $0xb8;
	[tilespmem:$0xE400] =	vst v63  }
0x86: {  	_ = 	snop  }
.LBB2_6:
0x87: {  	_ =	sfence.sel $0x180000  }
0x88: {  	[bflag:$0x0] =	sbarrier.arrive $0xFFFF  }
0x89: {  	_ =	strace $0x90000047  }
0x8a: {  	s0 =	stileid.u32;
	[bflag:$0x2] =	sbarrier.arrive $0xFFFF  }
0x8b: {  	p0 =	sne.s32 s0, $0x0;
	s0 =	rddreg [dreg:$0x3]  }
0x8c: {  	s0 =	sadd.s32 @!p0 $0x100000, s0  }
0x8d: {  	[sflag:s0] =	ssyncadd.tile.s32 @!p0 $0x1;
	_ =	shalt  }
.Lfunc_end2:
_tile_overlayer_lowered:
.L_overlay_start_2:
0x8e: {  	(tag) =	ssettag $0x2  }
0x8f: {  	s0 =	rddreg [dreg:$0x0];
	s2 =	stileid.u32  }
0x90: {  	s1 =	rddreg [dreg:$0x1];
	p0 =	sne.s32 s2, $0x0  }
0x91: {  	s3 =	rddreg [dreg:$0x2];
	[bflag:$0x3] =	sbarrier.arrive $0xFFFF;
	s2 =	simm.s32 @!p0 $0x1C11  }
0x92: {  	[timem:s3], [sflag:s2] =	dma.local @!p0 [hbm:s0], s1  }
0x93: {  	s0 =	simm.s32 @!p0 $0x11  }
0x94: {  	_ =	swait.ge @!p0 [sflag:s0], s1  }
0x95: {  	s1 =	ssub.s32 @!p0 $0x0, s1;
	[sflag:s0] =	ssyncset.done @!p0 $0x0  }
0x96: {  	[sflag:s0] =	ssyncadd.s32 @!p0 s1  }
0x97: {  	[bflag:$0x3] =	sbarrier.arrive $0xFFFF  }
0x98: {  	_ =	shalt  }

// kernel: sparse-core-data-format-call.cloned.1.call-start
scs
called_computation_lowered:
.L_overlay_start_0:
0x0: {  	s2 =	sld [smem:$0x3FD9]  }
0x1: {  	s3 =	sld [smem:$0x3FFE];
	_ =	sdelay $0x1  }
0x2: {  	s1 =	srdreg.scid  }
0x3: {  	s0 =	sand.u32 $0x1, s1  }
0x4: {  	s18 =	sshll.u32 s0, $0xA;
	s2 =	sadd.s32 s3, s2  }
0x5: {  	s2 =	sadd.s32 s2, s18  }
0x6: {  	[smem:$0x3FC6] =	sst s2  }
0x7: {  	_ = 	snop  }
0x8: {  	s2 =	sld [smem:$0x3FD0];
	(tm) =	ssettm $0x1  }
0x9: {  	s19 =	sld [smem:$0x3FFB];
	_ =	sdelay $0x3  }
0xa: {  	_ =	strace s19  }
0xb: {  	s3 =	sld [smem:$0x3FFC];
	_ =	sdelay $0x3  }
0xc: {  	_ =	strace s3  }
0xd: {  	s3 =	sld [smem:$0x3FFD];
	_ =	sdelay $0x3  }
0xe: {  	_ =	strace s3  }
0xf: {  	_ =	strace $0x8FFFFFFF  }
0x10: {  	s20 =	sld [smem:$0x3FDB];
	_ =	sdelay $0x1  }
0x11: {  	s4 =	simm.s32 $_scs_section_size  }
0x12: {  	s5 =	simm.s32 $_size__tile_overlayer_lowered;
	s6 =	simm.s32 $_tile_overlayer_lowered  }
0x13: {  	s23 =	simm.s32 $0x1BFF;
	s22 =	sshll.u32 s6, $0x1;
	s3 =	sadd.s32 s4, s20  }
0x14: {  	s7 =	simm.s32 $0x0;
	s21 =	sshll.u32 s5, $0x1;
	s5 =	sadd.s32 s22, s3  }
0x15: {  	[timem:s7], [sflag:s23] =	dma.local [hbm:s5], s21  }
0x16: {  	_ =	swait.ge [sflag:s23], s21  }
0x17: {  	s4 =	ssub.s32 $0x0, s21;
	[sflag:s23] =	ssyncset.done $0x0  }
0x18: {  	[sflag:s23] =	ssyncadd.s32 s4;
	_ =	sdelay $0x1  }
0x19: {  	s24 =	simm.s32 $0x1B8B  }
0x1a: {  	_ =	swait.ge [sflag:s24], $0x1  }
0x1b: {  	[sflag:s24] =	ssyncset.done $0x0  }
0x1c: {  	s26 =	simm.s32 $0x1B8E;
	s25 =	sld [smem:$0x3FFE];
	[sflag:s24] =	ssyncadd.s32 $0xFFFFFFFF  }
0x1d: {  	s27 =	simm.s32 $execute0_lowered;
	[smem:$0x3FD2] =	sst s26  }
0x1e: {  	s5 =	sshll.u32 s27, $0x1;
	_ =	strace $0x80000049;
	[dreg:$0x1] =	wrdreg $0xFFFFFFFF  }
0x1f: {  	s28 =	simm.s32 $_size_execute0_lowered;
	s3 =	sadd.s32 s3, s5;
	[dreg:$0x0] =	wrdreg $0x0  }
0x20: {  	s5 =	sshll.u32 s28, $0x1;
	[dreg:$0x2] =	wrdreg s3  }
0x21: {  	[dreg:$0x3] =	wrdreg s5  }
0x22: {  	[dreg:$0x4] =	wrdreg $0xC0  }
0x23: {  	_ =	task [dreg:s7], $0x5FFFF  }
0x24: {  	[dreg:$0x1] =	wrdreg $0xFFFFFFFF  }
0x25: {  	[dreg:$0x0] =	wrdreg $0x60  }
0x26: {  	[dreg:$0x2] =	wrdreg s25  }
0x27: {  	[dreg:$0x3] =	wrdreg s2  }
0x28: {  	[dreg:$0x4] =	wrdreg $0x9  }
0x29: {  	_ =	task.clear_ibuf [dreg:s7], $0x5FFFF;
	_ =	strace $0x90000049  }
0x2a: {  	s29 =	simm.s32 $0x9;
	_ =	strace $0x8000004B  }
0x2b: {  	_ =	swait.ge [sflag:s29], $0x1  }
0x2c: {  	[sflag:s29] =	ssyncadd.s32 $0xFFFFFFFF  }
0x2d: {  	_ =	strace $0x9000004B  }
0x2e: {  	_ =	sfence  }
0x2f: {  	s30 =	sld [smem:$0x0];
	_ =	sdelay $0x2  }
0x30: {  	s31 =	sshll.u32 s1, $0xD;
	s1 =	sshrl.u32 s1, $0x2  }
0x31: {  	s3 =	sand.u32 $0x4000, s31;
	s1 =	sadd.s32 s1, s30  }
0x32: {  	s0 =	sor.u32 s3, s0;
	s1 =	sshll.u32 s1, $0x11  }
0x33: {  	s0 =	sor.u32 s1, s0  }
0x34: {  	s0 =	sadd.s32 $0x8F2B, s0  }
0x35: {  	[sflag:s0] =	ssyncadd.remote.s32 $0x1  }
0x36: {  	_ =	sfence.sel $0xFFFF  }
0x37: {  	[dreg:$0x0] =	wrdreg $0xFFFFFFFF;
	(pc) =	sbr.abs _section_cstart, $3  }
0x38: {  	[dreg:$0x1] =	wrdreg $0xFFFFFFFF  }
0x39: {  	_ =	task.clear_ibuf [dreg:s7], $0x2FFFF;
	_ =	strace $0x9FFFFFFF  }
0x3a: {  	(tm) =	ssettm $0x7FFFFFFF  }
0x3b: {  	_ =	shalt  }
tec
execute0_lowered:
.L_overlay_start_1:
0x0: {  	(tag) =	ssettag $0x1  }
0x1: {  	s0 =	srdreg.scid;
	s5 =	rddreg [dreg:$0x0]  }
0x2: {  	s2 =	rddreg [dreg:$0x1];
	s1 =	sshll.u32 s0, $0x4  }
0x3: {  	s9 =	simm.s32 $0x2;
	s0 =	stileid.u32;
	s1 =	sand.u32 $0x10, s1  }
0x4: {  	s15 =	simm.s32 $0x0;
	s11 =	simm.s32 $0x400;
	s4 =	sor.u32 s0, s1  }
0x5: {  	s12 =	simm.s32 $0x8000;
	s16 =	simm.s32 $0x0;
	s3 =	sshll.u32 s4, $0x7  }
0x6: {  	s13 =	simm.s32 $0x0;
	s1 =	rddreg [dreg:$0x2];
	s6 =	ssub.s32 $0x1000, s3  }
0x7: {  	_ =	strace $0x8000004A;
	s8 =	sshll.u32 s4, $0xB;
	s7 =	sand.u32 $0xF80, s6  }
0x8: {  	s4 =	simm.s32 $0x1;
	p0 =	sne.s32 s7, $0x0;
	s7 =	simm.s32 $0x1  }
.Ltmp0:
0x9: {  	s6 =	sshrl.u32 s6, $0xC;
	s7 =	simm.s32 @!p0 $0x0;
	(pc) =	sbr.rel .LBB1_1-.Ltmp0, $4  }
0xa: {  	s14 =	simm.s32 $0x0;
	[sflag:s4] =	ssyncpa.u1 $0x0;
	s6 =	sadd.s32 s7, s6  }
0xb: {  	s10 =	sadd.s32 s8, s5;
	[sflag:s9] =	ssyncpa.u1 $0x0;
	s5 =	smul.u32 $0x32, s6  }
0xc: {  	s8 =	sadd.s32 $0x20800, s10;
	s9 =	sadd.s32 $0x30800, s10;
	p0 =	por $0x0, $0x0  }
0xd: {  	s7 =	sadd.s32 $0x10800, s10;
	s6 =	sadd.s32 $0x800, s10;
	s10 =	sor.u32 $0x1, s5  }
.LBB1_7:
0xe: {  	s17 =	sadd.s32 $0x4, s13  }
0xf: {  	p2 =	sgt.s32 s17, $0xC7  }
0x10: {  	s17 =	simm.s32 @p2 $0x0;
	p2 =	sne.s32 s14, s10  }
.Ltmp1:
0x11: {  	p1 =	slt.u32 s14, $0x2;
	(pc) =	sbr.rel @!p2 .LBB1_8-.Ltmp1, $4  }
0x12: {  	s15 =	simm.s32 @!p1 $0x2  }
0x13: {  	s18 =	sadd.s32 $0x1, s14;
	s16 =	smov.u32 s13;
	_ =	swait.ge @!p1 [sflag:s15], $0x4000  }
0x14: {  	p0 =	por !p0, !p0;
	s14 =	smov.u32 s18;
	[sflag:s15] =	ssyncset.done @!p1 $0x0  }
0x15: {  	s13 =	smov.u32 s17;
	[sflag:s15] =	ssyncadd.s32 @!p1 $0xFFFFC000;
	s15 =	smov.u32 s3  }
.LBB1_1:
0x16: {  	p1 =	sge.u32 s14, s5  }
0x17: {  	s17 =	sxor.u32 @!p1 $0xFFFFFFFF, s14  }
0x18: {  	s18 =	sshll.u32 @!p1 s13, $0x10;
	s20 =	simm.s32 @!p1 $0x20;
	s17 =	sshll.u32 @!p1 s17, $0xE  }
0x19: {  	s21 =	simm.s32 @!p1 $0x80;
	s19 =	sadd.s32 @!p1 s18, s6;
	s17 =	sand.u32 @!p1 $0x4000, s17  }
0x1a: {  	[tilespmem:s17], [sflag:$0x1] =	stream.strided.gather @!p1 [hbm4b:s19+s20], $0x1000, s21, s20, $0x38;
	[tilespmem:$0x10100] =	vst v63  }
0x1b: {  	s19 =	sadd.s32 @!p1 s18, s7;
	s22 =	sor.u32 @!p1 $0x1000, s17  }
0x1c: {  	[tilespmem:s22], [sflag:$0x1] =	stream.strided.gather @!p1 [hbm4b:s19+s20], $0x1000, s21, s20, $0x38;
	[tilespmem:$0x10100] =	vst v63  }
0x1d: {  	s19 =	sadd.s32 @!p1 s18, s8;
	s22 =	sor.u32 @!p1 $0x2000, s17  }
0x1e: {  	[tilespmem:s22], [sflag:$0x1] =	stream.strided.gather @!p1 [hbm4b:s19+s20], $0x1000, s21, s20, $0x38;
	[tilespmem:$0x10100] =	vst v63  }
0x1f: {  	s31 =	sadd.s32 $0xFFFFFFFF, s14;
	s18 =	sadd.s32 @!p1 s18, s9;
	s17 =	sor.u32 @!p1 $0x3000, s17  }
0x20: {  	[tilespmem:s17], [sflag:$0x1] =	stream.strided.gather @!p1 [hbm4b:s18+s20], $0x1000, s21, s20, $0x38;
	[tilespmem:$0x10100] =	vst v63  }
0x21: {  	p1 =	sge.u32 s31, s5  }
.Ltmp2:
0x22: {  	_ = 	snop;
	(pc) =	sbr.rel @p1 .LBB1_7-.Ltmp2, $1  }
0x23: {  	_ =	sdelay $0x3  }
0x24: {  	s18 =	simm.s32 $0x1;
	s19 =	sand.u32 $0x1, s14  }
0x25: {  	_ =	swait.ge [sflag:s4], $0x4000;
	s18 =	simm.s32 @!p0 $0x0;
	s20 =	smul.u32 $0x10200, s19  }
0x26: {  	[sflag:s4] =	ssyncset.done $0x0;
	s17 =	smul.u32 $0x10200, s18  }
0x27: {  	s18 =	sshll.u32 s18, $0xE;
	[sflag:s4] =	ssyncadd.s32 $0xFFFFC000  }
0x28: {  	s19 =	sor.u32 $0x10, s18;
	s31 =	sshrl.u32 s20, $0x2;
	s17 =	sshrl.u32 s17, $0x2  }
0x29: {  	s20 =	simm.s32 $0x0;
	s18 =	sor.u32 $0x8000, s31;
	s17 =	sor.u32 $0x8000, s17  }
.LBB1_3:
0x2a: {  	v1 =	vld [tilespmem:s19+$0x0]  }
0x2b: {  	v0 =	vld [tilespmem:s19+$0xFFFFFFF0];
	_ =	sdelay $0x2  }
0x2c: {  	s23 =	sadd.s32 $0x0, s17  }
0x2d: {  	s21 =	simm.s32 $0x4;
	s22 =	sadd.s32 $0x20, s19;
	[tilespmem:s23+$0x810 ss:$0x81] =	vst.msk $0xffff, v1  }
.LBB1_4:
0x2e: {  	v1 =	vld [tilespmem:s22+$0x0];
	p1 =	sne.s32 s21, $0x1FC;
	[tilespmem:s23+$0x0 ss:$0x81] =	vst.msk $0xffff, v0;
	s23 =	smov.u32 s21;
	s21 =	sadd.s32 $0x4, s21  }
.Ltmp3:
0x2f: {  	v0 =	vld [tilespmem:s22+$0xFFFFFFF0];
	(pc) =	sbr.rel @p1 .LBB1_4-.Ltmp3, $4  }
0x30: {  	_ = 	snop  }
0x31: {  	s23 =	sshra.s32 s23, $0x2  }
0x32: {  	s23 =	sadd.s32 s23, s17  }
0x33: {  	s22 =	sadd.s32 $0x20, s22;
	[tilespmem:s23+$0x810 ss:$0x81] =	vst.msk $0xffff, v1  }
0x34: {  	s20 =	sadd.s32 $0x1, s20  }
0x35: {  	p1 =	sne.s32 s20, $0x4  }
.Ltmp4:
0x36: {  	_ = 	snop;
	(pc) =	sbr.rel @p1 .LBB1_3-.Ltmp4, $2  }
0x37: {  	_ =	sdelay $0x2  }
0x38: {  	[tilespmem:s23+$0x0 ss:$0x81] =	vst.msk $0xffff, v0;
	s17 =	sadd.s32 $0x1020, s17;
	s19 =	sadd.s32 $0x1000, s19  }
.Ltmp5:
0x39: {  	(pc) =	sbr.rel .LBB1_7-.Ltmp5, $4  }
0x3a: {  	s16 =	sshll.u32 s16, $0xE  }
0x3b: {  	s16 =	sadd.s32 s2, s16  }
0x3c: {  	s15 =	sadd.s32 s15, s16  }
0x3d: {  	[hbm4b:s15+s11] =	stream.strided.scatter [tilespmem:s18], [sflag:$0x2], $0x4000, s12, s11, $0x20;
	[tilespmem:$0x10100] =	vst v63  }
.LBB1_8:
0x3e: {  	_ =	sfence.sel $0x180000  }
0x3f: {  	s2 =	simm.s32 $0x1;
	[bflag:$0x0] =	sbarrier.arrive $0xFFFF  }
0x40: {  	s31 =	simm.s32 $0x2;
	[sflag:s2] =	ssyncpa.u1 $0x1  }
0x41: {  	[sflag:s31] =	ssyncpa.u1 $0x1  }
0x42: {  	p0 =	sne.s32 s0, $0x0;
	_ =	strace $0x9000004A  }
0x43: {  	s0 =	sadd.s32 @!p0 $0x100000, s1;
	[bflag:$0x2] =	sbarrier.arrive $0xFFFF  }
0x44: {  	[sflag:s0] =	ssyncadd.tile.s32 @!p0 $0x1;
	_ =	shalt  }
.Lfunc_end1:
_tile_overlayer_lowered:
.L_overlay_start_2:
0x45: {  	(tag) =	ssettag $0x2  }
0x46: {  	s0 =	rddreg [dreg:$0x0];
	s2 =	stileid.u32  }
0x47: {  	s1 =	rddreg [dreg:$0x1];
	p0 =	sne.s32 s2, $0x0  }
0x48: {  	s3 =	rddreg [dreg:$0x2];
	[bflag:$0x3] =	sbarrier.arrive $0xFFFF;
	s2 =	simm.s32 @!p0 $0x1C01  }
0x49: {  	[timem:s3], [sflag:s2] =	dma.local @!p0 [hbm:s0], s1  }
0x4a: {  	s0 =	simm.s32 @!p0 $0x1  }
0x4b: {  	_ =	swait.ge @!p0 [sflag:s0], s1  }
0x4c: {  	s1 =	ssub.s32 @!p0 $0x0, s1;
	[sflag:s0] =	ssyncset.done @!p0 $0x0  }
0x4d: {  	[sflag:s0] =	ssyncadd.s32 @!p0 s1  }
0x4e: {  	[bflag:$0x3] =	sbarrier.arrive $0xFFFF  }
0x4f: {  	_ =	shalt  }

</sc_bundles>
